<compile_context>
chip_gen: v7x
topology: tpu7x:2x2x1
jax: 0.10.2.dev20260603
libtpu: 0.0.44.dev20260713+nightly
codegen_flags: <defaults>
</compile_context>

<pallas_src>
import functools

import jax
import jax.numpy as jnp
from jax import lax
from jax.experimental import pallas as pl
from jax.experimental.pallas import tpu as pltpu
from jax.experimental.pallas import tpu_sc as plsc

_N = 65536
_NS = 16
_PT = _N // _NS
_NSL = _PT // 16
_L = 16

_LOG1P = (
    5.631131898553576e-07, 0.9999574422836304, -0.4992063343524933,
    0.326972097158432, -0.22283409535884857, 0.13076254725456238,
    -0.05262341350317001, 0.0101187564432621,
)


def _log1p_poly(t):
    p = jnp.full_like(t, _LOG1P[-1])
    for c in _LOG1P[-2::-1]:
        p = p * t + jnp.float32(c)
    return p


def _sc_body(pred_hbm, y_hbm, out_hbm,
             pv, yv, lv, bbv, acc_v, allacc_v, bits_v, out_v,
             sh_acc, sh_bits, dma_sem):
    cid = lax.axis_index("c")
    sid = lax.axis_index("s")
    base = sid * _PT

    cp_p = pltpu.make_async_copy(pred_hbm.at[pl.ds(base, _PT)], pv, dma_sem)
    cp_y = pltpu.make_async_copy(y_hbm.at[pl.ds(base, _PT)], yv, dma_sem)
    cp_p.start()
    cp_y.start()
    cp_p.wait()
    cp_y.wait()

    zero16 = jnp.zeros((_L,), jnp.float32)

    def ew_one(sl_idx, bank):
        cnt1, s0, s1 = bank
        sl = pl.ds(sl_idx * _L, _L)
        x = pv[sl]
        yy = yv[sl]
        e = jnp.exp(-jnp.abs(x))
        l = jnp.maximum(x, 0.0) - x * yy + _log1p_poly(e)
        lv[sl] = l
        m1 = x >= 0.0
        cnt1 = cnt1 + jnp.where(m1, 1.0, 0.0)
        s1 = s1 + jnp.where(m1, l, 0.0)
        s0 = s0 + jnp.where(m1, 0.0, l)
        return cnt1, s0, s1

    def ew_body(i, banks):
        return tuple(ew_one(i * 4 + u, banks[u]) for u in range(4))

    zbank = (zero16, zero16, zero16)
    banks = lax.fori_loop(0, _NSL // 4, ew_body,
                          (zbank, zbank, zbank, zbank))
    cnt1v = banks[0][0] + banks[1][0] + banks[2][0] + banks[3][0]
    s0v = banks[0][1] + banks[1][1] + banks[2][1] + banks[3][1]
    s1v = banks[0][2] + banks[1][2] + banks[2][2] + banks[3][2]

    acc_v[pl.ds(0, _L)] = cnt1v
    acc_v[pl.ds(_L, _L)] = s0v
    acc_v[pl.ds(2 * _L, _L)] = s1v
    pltpu.sync_copy(acc_v, sh_acc.at[pl.ds(sid * 3 * _L, 3 * _L)])
    plsc.subcore_barrier()
    pltpu.sync_copy(sh_acc, allacc_v)

    def red_body(j, carry):
        c1, t0, t1 = carry
        b = j * 3 * _L
        c1 = c1 + allacc_v[pl.ds(b, _L)]
        t0 = t0 + allacc_v[pl.ds(b + _L, _L)]
        t1 = t1 + allacc_v[pl.ds(b + 2 * _L, _L)]
        return c1, t0, t1

    c1v, t0v, t1v = lax.fori_loop(
        0, _NS, red_body, (zero16, zero16, zero16))
    n1 = jnp.sum(c1v).astype(jnp.int32)
    n0 = jnp.int32(_N) - n1
    sum0 = jnp.sum(t0v)
    sum1 = jnp.sum(t1v)

    min_n = jnp.minimum(n0, n1)
    max_cap = jnp.maximum(min_n, 3 * (min_n + 1))
    big_is_1 = n1 > n0
    c_big = jnp.maximum(n0, n1)
    k_big = jnp.minimum(max_cap, c_big)
    sum_big = jnp.where(big_is_1, sum1, sum0)
    fast = k_big == c_big

    @pl.when(jnp.logical_not(fast))
    def _stage():
        big1 = jnp.where(big_is_1, jnp.int32(1), jnp.int32(0))

        def mk_body(i, _):
            sl = pl.ds(i * _L, _L)
            x = pv[sl]
            bits = plsc.bitcast(lv[sl], jnp.int32)
            m1i = jnp.where(x >= 0.0, jnp.int32(1), jnp.int32(0))
            isbig = m1i * big1 + (1 - m1i) * (1 - big1)
            bbv[sl] = bits * isbig + (isbig - 1)
            return 0

        lax.fori_loop(0, _NSL, mk_body, 0)
        pltpu.sync_copy(bbv, sh_bits.at[pl.ds(base, _PT)])
        plsc.subcore_barrier()

    def bf(s):
        return jnp.full((_L,), s, jnp.float32)

    def _fast_topk():
        return (bf(sum_big), bf(jnp.maximum(c_big, 1).astype(jnp.float32)))

    def _slow_topk():
        pltpu.sync_copy(sh_bits, bits_v)

        def count_ge(cand):
            def body(i, acc):
                b16 = bits_v[pl.ds(i * _L, _L)]
                return acc + jnp.where(b16 >= cand, 1.0, 0.0)
            accv = lax.fori_loop(0, _N // _L, body, zero16)
            return jnp.sum(accv).astype(jnp.int32)

        def bit_step(j, t):
            cand = t | (jnp.int32(1) << (jnp.int32(30) - j))
            return jnp.where(count_ge(cand) >= k_big, cand, t)

        t_bits = lax.fori_loop(0, 31, bit_step, jnp.int32(0))
        t_val16 = plsc.bitcast(jnp.full((_L,), t_bits, jnp.int32),
                               jnp.float32)

        def tail_body(i, carry):
            cgt, sgt = carry
            b16 = bits_v[pl.ds(i * _L, _L)]
            gt = b16 > t_bits
            cgt = cgt + jnp.where(gt, 1.0, 0.0)
            sgt = sgt + jnp.where(gt, plsc.bitcast(b16, jnp.float32), 0.0)
            return cgt, sgt

        cgtv, sgtv = lax.fori_loop(0, _N // _L, tail_body, (zero16, zero16))
        cnt_gt = jnp.sum(cgtv).astype(jnp.int32)
        sum_gt = jnp.sum(sgtv)
        topkv = bf(sum_gt) + bf((k_big - cnt_gt).astype(jnp.float32)) * t_val16
        return (topkv, bf(k_big.astype(jnp.float32)))

    topk_num, topk_den = lax.cond(fast, _fast_topk, _slow_topk)
    mean_topv = topk_num / topk_den

    mean0v = bf(sum0) / bf(jnp.maximum(n0, 1).astype(jnp.float32))
    mean1v = bf(sum1) / bf(jnp.maximum(n1, 1).astype(jnp.float32))
    is_min0 = bf((n0 == min_n).astype(jnp.float32))
    is_min1 = bf((n1 == min_n).astype(jnp.float32))
    nz0 = bf((n0 > 0).astype(jnp.float32))
    nz1 = bf((n1 > 0).astype(jnp.float32))
    one16 = jnp.ones((_L,), jnp.float32)
    term0v = is_min0 * nz0 * mean0v + (one16 - is_min0) * mean_topv
    term1v = is_min1 * nz1 * mean1v + (one16 - is_min1) * mean_topv
    axisv = nz0 + nz1
    finalv = (term0v + term1v) / axisv

    @pl.when(jnp.logical_and(cid == 0, sid == 0))
    def _write():
        out_v[...] = finalv
        pltpu.sync_copy(out_v, out_hbm)


_sc_kernel = functools.partial(
    pl.kernel,
    out_type=jax.ShapeDtypeStruct((_L,), jnp.float32),
    mesh=plsc.VectorSubcoreMesh(core_axis_name="c", subcore_axis_name="s",
                                num_cores=1),
    compiler_params=pltpu.CompilerParams(needs_layout_passes=False),
    scratch_types=[
        pltpu.VMEM((_PT,), jnp.float32),
        pltpu.VMEM((_PT,), jnp.float32),
        pltpu.VMEM((_PT,), jnp.float32),
        pltpu.VMEM((_PT,), jnp.int32),
        pltpu.VMEM((3 * _L,), jnp.float32),
        pltpu.VMEM((_NS * 3 * _L,), jnp.float32),
        pltpu.VMEM((_N,), jnp.int32),
        pltpu.VMEM((_L,), jnp.float32),
        pltpu.VMEM_SHARED((_NS * 3 * _L,), jnp.float32),
        pltpu.VMEM_SHARED((_N,), jnp.int32),
        pltpu.SemaphoreType.DMA,
    ],
)(_sc_body)


def _tc_dense_kernel(x_ref, y_ref, fast_ref, res_ref):
    x = x_ref[...]
    yv = y_ref[...]

    loss = jnp.maximum(x, 0.0) - x * yv + jnp.log1p(jnp.exp(-jnp.abs(x)))

    m1 = jax.nn.sigmoid(x) >= 0.5
    ones = jnp.ones_like(x)
    n1 = jnp.sum(jnp.where(m1, ones, 0.0)).astype(jnp.int32)
    n0 = jnp.int32(_N) - n1
    sum1 = jnp.sum(jnp.where(m1, loss, 0.0))
    sum0 = jnp.sum(jnp.where(m1, 0.0, loss))

    min_n = jnp.minimum(n0, n1)
    max_cap = jnp.maximum(min_n, 3 * (min_n + 1))
    c_big = jnp.maximum(n0, n1)
    k_big = jnp.minimum(max_cap, c_big)
    sum_big = jnp.where(n1 > n0, sum1, sum0)
    fast = k_big == c_big

    mean_top = sum_big / jnp.maximum(c_big, 1).astype(jnp.float32)
    mean_all0 = sum0 / jnp.maximum(n0, 1).astype(jnp.float32)
    mean_all1 = sum1 / jnp.maximum(n1, 1).astype(jnp.float32)
    zero = jnp.float32(0.0)
    term0 = jnp.where(n0 == min_n,
                      jnp.where(n0 > 0, mean_all0, zero), mean_top)
    term1 = jnp.where(n1 == min_n,
                      jnp.where(n1 > 0, mean_all1, zero), mean_top)
    axis = (n0 > 0).astype(jnp.float32) + (n1 > 0).astype(jnp.float32)
    result = (term0 + term1) / axis

    fast_ref[...] = fast.astype(jnp.float32).reshape(1, 1)
    res_ref[...] = result.reshape(1, 1)


@jax.jit
def kernel(predict, y):
    x2 = predict.reshape(512, 128)
    y2 = y.reshape(512, 128)
    fast_arr, res_arr = pl.pallas_call(
        _tc_dense_kernel,
        out_shape=(jax.ShapeDtypeStruct((1, 1), jnp.float32),
                   jax.ShapeDtypeStruct((1, 1), jnp.float32)),
    )(x2, y2)
    fast = fast_arr[0, 0] > 0.5

    def _degenerate():
        return res_arr[0, 0]

    def _select_on_sc():
        return _sc_kernel(predict.reshape(_N), y.reshape(_N))[0]

    return lax.cond(fast, _degenerate, _select_on_sc)

# --- scband reference (transcript-rebuilt; emitter-appended) ---
"""Pipeline reference for scband-ohemloss-f-4037269258772 (READ-ONLY COPY).

The authoritative reference and input builder live on the scoring server;
editing this copy changes nothing except your own understanding.
"""

import jax, jax.numpy as jnp
import numpy as np


def setup_inputs(seed: int = 0) -> dict:
    key = jax.random.key(seed)
    k1, k2 = jax.random.split(key)
    predict = jax.random.normal(k1, (65536, 1), dtype=jnp.float32)
    y = jax.random.uniform(k2, (65536, 1), dtype=jnp.float32)
    return {"predict": predict, "y": y}


def _bce_with_logits(x, y):
    # stable BCEWithLogitsLoss, reduction='none'
    return jnp.maximum(x, 0.0) - x * y + jnp.log1p(jnp.exp(-jnp.abs(x)))


def reference(predict, y):
    loss = _bce_with_logits(predict, y)
    pred = (jax.nn.sigmoid(predict) >= 0.5).astype(jnp.int32)
    n = pred.shape[0]
    pred_flat = pred[:, 0]
    loss_flat = loss[:, 0]
    idx = jnp.arange(n)
    mask0 = pred_flat == 0
    mask1 = pred_flat == 1
    n0 = jnp.sum(mask0.astype(jnp.int32))
    n1 = jnp.sum(mask1.astype(jnp.int32))
    sorted0 = -jnp.sort(jnp.where(mask0, -loss_flat, jnp.inf))
    sorted1 = -jnp.sort(jnp.where(mask1, -loss_flat, jnp.inf))
    sorted0 = jnp.where(idx < n0, sorted0, jnp.float32(0.0))
    sorted1 = jnp.where(idx < n1, sorted1, jnp.float32(0.0))
    min_number = jnp.minimum(n0, n1)
    max_cap = jnp.maximum(min_number, 3 * (min_number + 1))
    final_loss = jnp.float32(0.0)
    axis = jnp.float32(0.0)
    for c, s in ((n0, sorted0), (n1, sorted1)):
        k = jnp.minimum(max_cap, c)
        mean_all = jnp.sum(s) / jnp.maximum(c, 1).astype(jnp.float32)
        mean_top = jnp.sum(jnp.where(idx < k, s, jnp.float32(0.0))) / jnp.maximum(
            k, 1
        ).astype(jnp.float32)
        term = jnp.where(
            c == min_number,
            jnp.where(c > 0, mean_all, jnp.float32(0.0)),
            mean_top,
        )
        final_loss = final_loss + term
        axis = axis + (c > 0).astype(jnp.float32)
    return final_loss / axis

if __name__ == "__main__":
    import jax
    _d = setup_inputs()
    print(jax.jit(kernel)(*tuple(_d.values())))

</pallas_src>

<mosaic_0001>
#map = affine_map<(d0, d1) -> (0)>
module attributes {stable_mosaic.version = 14 : i64} {
  func.func @_sc_body(%arg0: i32, %arg1: i32, %arg2: memref<65536xf32, #tpu.memory_space<hbm>>, %arg3: memref<65536xf32, #tpu.memory_space<hbm>>, %arg4: memref<16xf32, #tpu.memory_space<hbm>>, %arg5: memref<4096xf32, #tpu.memory_space<vmem>>, %arg6: memref<4096xf32, #tpu.memory_space<vmem>>, %arg7: memref<4096xf32, #tpu.memory_space<vmem>>, %arg8: memref<4096xi32, #tpu.memory_space<vmem>>, %arg9: memref<48xf32, #tpu.memory_space<vmem>>, %arg10: memref<768xf32, #tpu.memory_space<vmem>>, %arg11: memref<65536xi32, #tpu.memory_space<vmem>>, %arg12: memref<16xf32, #tpu.memory_space<vmem>>, %arg13: memref<768xf32, #tpu.memory_space<vmem_shared>>, %arg14: memref<65536xi32, #tpu.memory_space<vmem_shared>>, %arg15: memref<!tpu.dma_semaphore, #tpu.memory_space<semaphore_mem>>) attributes {dimension_semantics = [#tpu.dimension_semantics<core_parallel>, #tpu.dimension_semantics<subcore_parallel>], iteration_bounds = array<i64: 1, 16>, scalar_prefetch = 0 : i64, scratch_operands = 11 : i64, tpu.core_type = #tpu.core_type<sc_vector_subcore>, window_params = [{transform_indices = #map}, {transform_indices = #map}, {transform_indices = #map}]} {
    %mul3A = arith.constant 4096 : i32
    %mul3A_0 = arith.muli %arg1, %mul3A : i32
    %dma_start3A = tpu.memref_slice %arg2[%mul3A_0] : memref<65536xf32, #tpu.memory_space<hbm>> -> memref<4096xf32, #tpu.memory_space<hbm>>
    %dma_start3A_1 = tpu.memref_slice %arg2[%mul3A_0] : memref<65536xf32, #tpu.memory_space<hbm>> -> memref<4096xf32, #tpu.memory_space<hbm>>
    tpu.enqueue_dma source(%dma_start3A_1 : memref<4096xf32, #tpu.memory_space<hbm>>) target(%arg5 : memref<4096xf32, #tpu.memory_space<vmem>>) target_semaphore(%arg15 : memref<!tpu.dma_semaphore, #tpu.memory_space<semaphore_mem>>)
    %dma_start3A_2 = tpu.memref_slice %arg3[%mul3A_0] : memref<65536xf32, #tpu.memory_space<hbm>> -> memref<4096xf32, #tpu.memory_space<hbm>>
    %dma_start3A_3 = tpu.memref_slice %arg3[%mul3A_0] : memref<65536xf32, #tpu.memory_space<hbm>> -> memref<4096xf32, #tpu.memory_space<hbm>>
    tpu.enqueue_dma source(%dma_start3A_3 : memref<4096xf32, #tpu.memory_space<hbm>>) target(%arg6 : memref<4096xf32, #tpu.memory_space<vmem>>) target_semaphore(%arg15 : memref<!tpu.dma_semaphore, #tpu.memory_space<semaphore_mem>>)
    %dma_wait3A = tpu.memref_slice %arg2[%mul3A_0] : memref<65536xf32, #tpu.memory_space<hbm>> -> memref<4096xf32, #tpu.memory_space<hbm>>
    %dma_wait3A_4 = tpu.memref_slice %arg2[%mul3A_0] : memref<65536xf32, #tpu.memory_space<hbm>> -> memref<4096xf32, #tpu.memory_space<hbm>>
    tpu.wait_dma2 semaphore(%arg15 : memref<!tpu.dma_semaphore, #tpu.memory_space<semaphore_mem>>) src(%dma_wait3A_4 : memref<4096xf32, #tpu.memory_space<hbm>>) dst(%arg5 : memref<4096xf32, #tpu.memory_space<vmem>>)
    %dma_wait3A_5 = tpu.memref_slice %arg3[%mul3A_0] : memref<65536xf32, #tpu.memory_space<hbm>> -> memref<4096xf32, #tpu.memory_space<hbm>>
    %dma_wait3A_6 = tpu.memref_slice %arg3[%mul3A_0] : memref<65536xf32, #tpu.memory_space<hbm>> -> memref<4096xf32, #tpu.memory_space<hbm>>
    tpu.wait_dma2 semaphore(%arg15 : memref<!tpu.dma_semaphore, #tpu.memory_space<semaphore_mem>>) src(%dma_wait3A_6 : memref<4096xf32, #tpu.memory_space<hbm>>) dst(%arg6 : memref<4096xf32, #tpu.memory_space<vmem>>)
    %broadcast_in_dim3A = arith.constant 0.000000e+00 : f32
    %broadcast_in_dim3A_7 = vector.broadcast %broadcast_in_dim3A : f32 to vector<16xf32>
    %scan3A = arith.constant 0 : i32
    %scan3A_8 = arith.constant 64 : i32
    %scan3A_9 = arith.addi %scan3A, %scan3A_8 : i32
    %scan3A_10 = arith.constant 1 : i32
    %scan3A_11:12 = scf.for %scan3A_113 = %scan3A to %scan3A_9 step %scan3A_10 iter_args(%scan3A_114 = %broadcast_in_dim3A_7, %scan3A_115 = %broadcast_in_dim3A_7, %scan3A_116 = %broadcast_in_dim3A_7, %scan3A_117 = %broadcast_in_dim3A_7, %scan3A_118 = %broadcast_in_dim3A_7, %scan3A_119 = %broadcast_in_dim3A_7, %scan3A_120 = %broadcast_in_dim3A_7, %scan3A_121 = %broadcast_in_dim3A_7, %scan3A_122 = %broadcast_in_dim3A_7, %scan3A_123 = %broadcast_in_dim3A_7, %scan3A_124 = %broadcast_in_dim3A_7, %scan3A_125 = %broadcast_in_dim3A_7) -> (vector<16xf32>, vector<16xf32>, vector<16xf32>, vector<16xf32>, vector<16xf32>, vector<16xf32>, vector<16xf32>, vector<16xf32>, vector<16xf32>, vector<16xf32>, vector<16xf32>, vector<16xf32>)  : i32 {
      %mul3A_126 = arith.constant 4 : i32
      %mul3A_127 = arith.muli %scan3A_113, %mul3A_126 : i32
      %add3A_128 = arith.constant 0 : i32
      %add3A_129 = arith.addi %mul3A_127, %add3A_128 : i32
      %mul3A_130 = arith.constant 16 : i32
      %mul3A_131 = arith.muli %add3A_129, %mul3A_130 : i32
      %get3A = arith.index_cast %mul3A_131 : i32 to index
      %get3A_132 = tpu.vector_load %arg5[%get3A] {strides = array<i32>} : memref<4096xf32, #tpu.memory_space<vmem>>, vector<16xf32>,
      %get3A_133 = arith.index_cast %mul3A_131 : i32 to index
      %get3A_134 = tpu.vector_load %arg6[%get3A_133] {strides = array<i32>} : memref<4096xf32, #tpu.memory_space<vmem>>, vector<16xf32>,
      %abs3A = math.absf %get3A_132 : vector<16xf32>
      %neg3A = arith.constant 0.000000e+00 : f32
      %neg3A_135 = vector.broadcast %neg3A : f32 to vector<16xf32>
      %neg3A_136 = arith.subf %neg3A_135, %abs3A : vector<16xf32>
      %exp3A = math.exp %neg3A_136 : vector<16xf32>
      %max3A_137 = arith.constant 0.000000e+00 : f32
      %max3A_138 = vector.broadcast %max3A_137 : f32 to vector<16xf32>
      %max3A_139 = arith.maximumf %get3A_132, %max3A_138 : vector<16xf32>
      %mul3A_140 = arith.mulf %get3A_132, %get3A_134 : vector<16xf32>
      %sub3A_141 = arith.subf %max3A_139, %mul3A_140 : vector<16xf32>
      %broadcast_in_dim3A_142 = arith.constant 0.0101187564 : f32
      %broadcast_in_dim3A_143 = vector.broadcast %broadcast_in_dim3A_142 : f32 to vector<16xf32>
      %mul3A_144 = arith.mulf %broadcast_in_dim3A_143, %exp3A : vector<16xf32>
      %add3A_145 = arith.constant -0.0526234135 : f32
      %add3A_146 = vector.broadcast %add3A_145 : f32 to vector<16xf32>
      %add3A_147 = arith.addf %mul3A_144, %add3A_146 : vector<16xf32>
      %mul3A_148 = arith.mulf %add3A_147, %exp3A : vector<16xf32>
      %add3A_149 = arith.constant 0.130762547 : f32
      %add3A_150 = vector.broadcast %add3A_149 : f32 to vector<16xf32>
      %add3A_151 = arith.addf %mul3A_148, %add3A_150 : vector<16xf32>
      %mul3A_152 = arith.mulf %add3A_151, %exp3A : vector<16xf32>
      %add3A_153 = arith.constant -0.222834095 : f32
      %add3A_154 = vector.broadcast %add3A_153 : f32 to vector<16xf32>
      %add3A_155 = arith.addf %mul3A_152, %add3A_154 : vector<16xf32>
      %mul3A_156 = arith.mulf %add3A_155, %exp3A : vector<16xf32>
      %add3A_157 = arith.constant 0.326972097 : f32
      %add3A_158 = vector.broadcast %add3A_157 : f32 to vector<16xf32>
      %add3A_159 = arith.addf %mul3A_156, %add3A_158 : vector<16xf32>
      %mul3A_160 = arith.mulf %add3A_159, %exp3A : vector<16xf32>
      %add3A_161 = arith.constant -0.499206334 : f32
      %add3A_162 = vector.broadcast %add3A_161 : f32 to vector<16xf32>
      %add3A_163 = arith.addf %mul3A_160, %add3A_162 : vector<16xf32>
      %mul3A_164 = arith.mulf %add3A_163, %exp3A : vector<16xf32>
      %add3A_165 = arith.constant 0.999957442 : f32
      %add3A_166 = vector.broadcast %add3A_165 : f32 to vector<16xf32>
      %add3A_167 = arith.addf %mul3A_164, %add3A_166 : vector<16xf32>
      %mul3A_168 = arith.mulf %add3A_167, %exp3A : vector<16xf32>
      %add3A_169 = arith.constant 5.6311319E-7 : f32
      %add3A_170 = vector.broadcast %add3A_169 : f32 to vector<16xf32>
      %add3A_171 = arith.addf %mul3A_168, %add3A_170 : vector<16xf32>
      %add3A_172 = arith.addf %sub3A_141, %add3A_171 : vector<16xf32>
      %swap3A_173 = arith.index_cast %mul3A_131 : i32 to index
      %swap3A_174 = tpu.vector_load %arg7[%swap3A_173] {strides = array<i32>} : memref<4096xf32, #tpu.memory_space<vmem>>, vector<16xf32>,
      tpu.vector_store %arg7[%swap3A_173], %add3A_172 {strides = array<i32>} : memref<4096xf32, #tpu.memory_space<vmem>>, vector<16xf32>,
      %ge3A = arith.constant 0.000000e+00 : f32
      %ge3A_175 = vector.broadcast %ge3A : f32 to vector<16xf32>
      %ge3A_176 = arith.cmpf oge, %get3A_132, %ge3A_175 : vector<16xf32>
      %jit3A = arith.constant 1.000000e+00 : f32
      %jit3A_177 = arith.constant 0.000000e+00 : f32
      %broadcast_in_dim3A_178 = vector.broadcast %jit3A : f32 to vector<16xf32>
      %broadcast_in_dim3A_179 = vector.broadcast %jit3A_177 : f32 to vector<16xf32>
      %select_n3A_180 = arith.select %ge3A_176, %broadcast_in_dim3A_178, %broadcast_in_dim3A_179 : vector<16xi1>, vector<16xf32>
      %add3A_181 = arith.addf %scan3A_114, %select_n3A_180 : vector<16xf32>
      %jit3A_182 = arith.constant 0.000000e+00 : f32
      %broadcast_in_dim3A_183 = vector.broadcast %jit3A_182 : f32 to vector<16xf32>
      %select_n3A_184 = arith.select %ge3A_176, %add3A_172, %broadcast_in_dim3A_183 : vector<16xi1>, vector<16xf32>
      %add3A_185 = arith.addf %scan3A_116, %select_n3A_184 : vector<16xf32>
      %jit3A_186 = arith.constant 0.000000e+00 : f32
      %broadcast_in_dim3A_187 = vector.broadcast %jit3A_186 : f32 to vector<16xf32>
      %select_n3A_188 = arith.select %ge3A_176, %broadcast_in_dim3A_187, %add3A_172 : vector<16xi1>, vector<16xf32>
      %add3A_189 = arith.addf %scan3A_115, %select_n3A_188 : vector<16xf32>
      %mul3A_190 = arith.constant 4 : i32
      %mul3A_191 = arith.muli %scan3A_113, %mul3A_190 : i32
      %add3A_192 = arith.constant 1 : i32
      %add3A_193 = arith.addi %mul3A_191, %add3A_192 : i32
      %mul3A_194 = arith.constant 16 : i32
      %mul3A_195 = arith.muli %add3A_193, %mul3A_194 : i32
      %get3A_196 = arith.index_cast %mul3A_195 : i32 to index
      %get3A_197 = tpu.vector_load %arg5[%get3A_196] {strides = array<i32>} : memref<4096xf32, #tpu.memory_space<vmem>>, vector<16xf32>,
      %get3A_198 = arith.index_cast %mul3A_195 : i32 to index
      %get3A_199 = tpu.vector_load %arg6[%get3A_198] {strides = array<i32>} : memref<4096xf32, #tpu.memory_space<vmem>>, vector<16xf32>,
      %abs3A_200 = math.absf %get3A_197 : vector<16xf32>
      %neg3A_201 = arith.constant 0.000000e+00 : f32
      %neg3A_202 = vector.broadcast %neg3A_201 : f32 to vector<16xf32>
      %neg3A_203 = arith.subf %neg3A_202, %abs3A_200 : vector<16xf32>
      %exp3A_204 = math.exp %neg3A_203 : vector<16xf32>
      %max3A_205 = arith.constant 0.000000e+00 : f32
      %max3A_206 = vector.broadcast %max3A_205 : f32 to vector<16xf32>
      %max3A_207 = arith.maximumf %get3A_197, %max3A_206 : vector<16xf32>
      %mul3A_208 = arith.mulf %get3A_197, %get3A_199 : vector<16xf32>
      %sub3A_209 = arith.subf %max3A_207, %mul3A_208 : vector<16xf32>
      %broadcast_in_dim3A_210 = arith.constant 0.0101187564 : f32
      %broadcast_in_dim3A_211 = vector.broadcast %broadcast_in_dim3A_210 : f32 to vector<16xf32>
      %mul3A_212 = arith.mulf %broadcast_in_dim3A_211, %exp3A_204 : vector<16xf32>
      %add3A_213 = arith.constant -0.0526234135 : f32
      %add3A_214 = vector.broadcast %add3A_213 : f32 to vector<16xf32>
      %add3A_215 = arith.addf %mul3A_212, %add3A_214 : vector<16xf32>
      %mul3A_216 = arith.mulf %add3A_215, %exp3A_204 : vector<16xf32>
      %add3A_217 = arith.constant 0.130762547 : f32
      %add3A_218 = vector.broadcast %add3A_217 : f32 to vector<16xf32>
      %add3A_219 = arith.addf %mul3A_216, %add3A_218 : vector<16xf32>
      %mul3A_220 = arith.mulf %add3A_219, %exp3A_204 : vector<16xf32>
      %add3A_221 = arith.constant -0.222834095 : f32
      %add3A_222 = vector.broadcast %add3A_221 : f32 to vector<16xf32>
      %add3A_223 = arith.addf %mul3A_220, %add3A_222 : vector<16xf32>
      %mul3A_224 = arith.mulf %add3A_223, %exp3A_204 : vector<16xf32>
      %add3A_225 = arith.constant 0.326972097 : f32
      %add3A_226 = vector.broadcast %add3A_225 : f32 to vector<16xf32>
      %add3A_227 = arith.addf %mul3A_224, %add3A_226 : vector<16xf32>
      %mul3A_228 = arith.mulf %add3A_227, %exp3A_204 : vector<16xf32>
      %add3A_229 = arith.constant -0.499206334 : f32
      %add3A_230 = vector.broadcast %add3A_229 : f32 to vector<16xf32>
      %add3A_231 = arith.addf %mul3A_228, %add3A_230 : vector<16xf32>
      %mul3A_232 = arith.mulf %add3A_231, %exp3A_204 : vector<16xf32>
      %add3A_233 = arith.constant 0.999957442 : f32
      %add3A_234 = vector.broadcast %add3A_233 : f32 to vector<16xf32>
      %add3A_235 = arith.addf %mul3A_232, %add3A_234 : vector<16xf32>
      %mul3A_236 = arith.mulf %add3A_235, %exp3A_204 : vector<16xf32>
      %add3A_237 = arith.constant 5.6311319E-7 : f32
      %add3A_238 = vector.broadcast %add3A_237 : f32 to vector<16xf32>
      %add3A_239 = arith.addf %mul3A_236, %add3A_238 : vector<16xf32>
      %add3A_240 = arith.addf %sub3A_209, %add3A_239 : vector<16xf32>
      %swap3A_241 = arith.index_cast %mul3A_195 : i32 to index
      %swap3A_242 = tpu.vector_load %arg7[%swap3A_241] {strides = array<i32>} : memref<4096xf32, #tpu.memory_space<vmem>>, vector<16xf32>,
      tpu.vector_store %arg7[%swap3A_241], %add3A_240 {strides = array<i32>} : memref<4096xf32, #tpu.memory_space<vmem>>, vector<16xf32>,
      %ge3A_243 = arith.constant 0.000000e+00 : f32
      %ge3A_244 = vector.broadcast %ge3A_243 : f32 to vector<16xf32>
      %ge3A_245 = arith.cmpf oge, %get3A_197, %ge3A_244 : vector<16xf32>
      %jit3A_246 = arith.constant 1.000000e+00 : f32
      %jit3A_247 = arith.constant 0.000000e+00 : f32
      %broadcast_in_dim3A_248 = vector.broadcast %jit3A_246 : f32 to vector<16xf32>
      %broadcast_in_dim3A_249 = vector.broadcast %jit3A_247 : f32 to vector<16xf32>
      %select_n3A_250 = arith.select %ge3A_245, %broadcast_in_dim3A_248, %broadcast_in_dim3A_249 : vector<16xi1>, vector<16xf32>
      %add3A_251 = arith.addf %scan3A_117, %select_n3A_250 : vector<16xf32>
      %jit3A_252 = arith.constant 0.000000e+00 : f32
      %broadcast_in_dim3A_253 = vector.broadcast %jit3A_252 : f32 to vector<16xf32>
      %select_n3A_254 = arith.select %ge3A_245, %add3A_240, %broadcast_in_dim3A_253 : vector<16xi1>, vector<16xf32>
      %add3A_255 = arith.addf %scan3A_119, %select_n3A_254 : vector<16xf32>
      %jit3A_256 = arith.constant 0.000000e+00 : f32
      %broadcast_in_dim3A_257 = vector.broadcast %jit3A_256 : f32 to vector<16xf32>
      %select_n3A_258 = arith.select %ge3A_245, %broadcast_in_dim3A_257, %add3A_240 : vector<16xi1>, vector<16xf32>
      %add3A_259 = arith.addf %scan3A_118, %select_n3A_258 : vector<16xf32>
      %mul3A_260 = arith.constant 4 : i32
      %mul3A_261 = arith.muli %scan3A_113, %mul3A_260 : i32
      %add3A_262 = arith.constant 2 : i32
      %add3A_263 = arith.addi %mul3A_261, %add3A_262 : i32
      %mul3A_264 = arith.constant 16 : i32
      %mul3A_265 = arith.muli %add3A_263, %mul3A_264 : i32
      %get3A_266 = arith.index_cast %mul3A_265 : i32 to index
      %get3A_267 = tpu.vector_load %arg5[%get3A_266] {strides = array<i32>} : memref<4096xf32, #tpu.memory_space<vmem>>, vector<16xf32>,
      %get3A_268 = arith.index_cast %mul3A_265 : i32 to index
      %get3A_269 = tpu.vector_load %arg6[%get3A_268] {strides = array<i32>} : memref<4096xf32, #tpu.memory_space<vmem>>, vector<16xf32>,
      %abs3A_270 = math.absf %get3A_267 : vector<16xf32>
      %neg3A_271 = arith.constant 0.000000e+00 : f32
      %neg3A_272 = vector.broadcast %neg3A_271 : f32 to vector<16xf32>
      %neg3A_273 = arith.subf %neg3A_272, %abs3A_270 : vector<16xf32>
      %exp3A_274 = math.exp %neg3A_273 : vector<16xf32>
      %max3A_275 = arith.constant 0.000000e+00 : f32
      %max3A_276 = vector.broadcast %max3A_275 : f32 to vector<16xf32>
      %max3A_277 = arith.maximumf %get3A_267, %max3A_276 : vector<16xf32>
      %mul3A_278 = arith.mulf %get3A_267, %get3A_269 : vector<16xf32>
      %sub3A_279 = arith.subf %max3A_277, %mul3A_278 : vector<16xf32>
      %broadcast_in_dim3A_280 = arith.constant 0.0101187564 : f32
      %broadcast_in_dim3A_281 = vector.broadcast %broadcast_in_dim3A_280 : f32 to vector<16xf32>
      %mul3A_282 = arith.mulf %broadcast_in_dim3A_281, %exp3A_274 : vector<16xf32>
      %add3A_283 = arith.constant -0.0526234135 : f32
      %add3A_284 = vector.broadcast %add3A_283 : f32 to vector<16xf32>
      %add3A_285 = arith.addf %mul3A_282, %add3A_284 : vector<16xf32>
      %mul3A_286 = arith.mulf %add3A_285, %exp3A_274 : vector<16xf32>
      %add3A_287 = arith.constant 0.130762547 : f32
      %add3A_288 = vector.broadcast %add3A_287 : f32 to vector<16xf32>
      %add3A_289 = arith.addf %mul3A_286, %add3A_288 : vector<16xf32>
      %mul3A_290 = arith.mulf %add3A_289, %exp3A_274 : vector<16xf32>
      %add3A_291 = arith.constant -0.222834095 : f32
      %add3A_292 = vector.broadcast %add3A_291 : f32 to vector<16xf32>
      %add3A_293 = arith.addf %mul3A_290, %add3A_292 : vector<16xf32>
      %mul3A_294 = arith.mulf %add3A_293, %exp3A_274 : vector<16xf32>
      %add3A_295 = arith.constant 0.326972097 : f32
      %add3A_296 = vector.broadcast %add3A_295 : f32 to vector<16xf32>
      %add3A_297 = arith.addf %mul3A_294, %add3A_296 : vector<16xf32>
      %mul3A_298 = arith.mulf %add3A_297, %exp3A_274 : vector<16xf32>
      %add3A_299 = arith.constant -0.499206334 : f32
      %add3A_300 = vector.broadcast %add3A_299 : f32 to vector<16xf32>
      %add3A_301 = arith.addf %mul3A_298, %add3A_300 : vector<16xf32>
      %mul3A_302 = arith.mulf %add3A_301, %exp3A_274 : vector<16xf32>
      %add3A_303 = arith.constant 0.999957442 : f32
      %add3A_304 = vector.broadcast %add3A_303 : f32 to vector<16xf32>
      %add3A_305 = arith.addf %mul3A_302, %add3A_304 : vector<16xf32>
      %mul3A_306 = arith.mulf %add3A_305, %exp3A_274 : vector<16xf32>
      %add3A_307 = arith.constant 5.6311319E-7 : f32
      %add3A_308 = vector.broadcast %add3A_307 : f32 to vector<16xf32>
      %add3A_309 = arith.addf %mul3A_306, %add3A_308 : vector<16xf32>
      %add3A_310 = arith.addf %sub3A_279, %add3A_309 : vector<16xf32>
      %swap3A_311 = arith.index_cast %mul3A_265 : i32 to index
      %swap3A_312 = tpu.vector_load %arg7[%swap3A_311] {strides = array<i32>} : memref<4096xf32, #tpu.memory_space<vmem>>, vector<16xf32>,
      tpu.vector_store %arg7[%swap3A_311], %add3A_310 {strides = array<i32>} : memref<4096xf32, #tpu.memory_space<vmem>>, vector<16xf32>,
      %ge3A_313 = arith.constant 0.000000e+00 : f32
      %ge3A_314 = vector.broadcast %ge3A_313 : f32 to vector<16xf32>
      %ge3A_315 = arith.cmpf oge, %get3A_267, %ge3A_314 : vector<16xf32>
      %jit3A_316 = arith.constant 1.000000e+00 : f32
      %jit3A_317 = arith.constant 0.000000e+00 : f32
      %broadcast_in_dim3A_318 = vector.broadcast %jit3A_316 : f32 to vector<16xf32>
      %broadcast_in_dim3A_319 = vector.broadcast %jit3A_317 : f32 to vector<16xf32>
      %select_n3A_320 = arith.select %ge3A_315, %broadcast_in_dim3A_318, %broadcast_in_dim3A_319 : vector<16xi1>, vector<16xf32>
      %add3A_321 = arith.addf %scan3A_120, %select_n3A_320 : vector<16xf32>
      %jit3A_322 = arith.constant 0.000000e+00 : f32
      %broadcast_in_dim3A_323 = vector.broadcast %jit3A_322 : f32 to vector<16xf32>
      %select_n3A_324 = arith.select %ge3A_315, %add3A_310, %broadcast_in_dim3A_323 : vector<16xi1>, vector<16xf32>
      %add3A_325 = arith.addf %scan3A_122, %select_n3A_324 : vector<16xf32>
      %jit3A_326 = arith.constant 0.000000e+00 : f32
      %broadcast_in_dim3A_327 = vector.broadcast %jit3A_326 : f32 to vector<16xf32>
      %select_n3A_328 = arith.select %ge3A_315, %broadcast_in_dim3A_327, %add3A_310 : vector<16xi1>, vector<16xf32>
      %add3A_329 = arith.addf %scan3A_121, %select_n3A_328 : vector<16xf32>
      %mul3A_330 = arith.constant 4 : i32
      %mul3A_331 = arith.muli %scan3A_113, %mul3A_330 : i32
      %add3A_332 = arith.constant 3 : i32
      %add3A_333 = arith.addi %mul3A_331, %add3A_332 : i32
      %mul3A_334 = arith.constant 16 : i32
      %mul3A_335 = arith.muli %add3A_333, %mul3A_334 : i32
      %get3A_336 = arith.index_cast %mul3A_335 : i32 to index
      %get3A_337 = tpu.vector_load %arg5[%get3A_336] {strides = array<i32>} : memref<4096xf32, #tpu.memory_space<vmem>>, vector<16xf32>,
      %get3A_338 = arith.index_cast %mul3A_335 : i32 to index
      %get3A_339 = tpu.vector_load %arg6[%get3A_338] {strides = array<i32>} : memref<4096xf32, #tpu.memory_space<vmem>>, vector<16xf32>,
      %abs3A_340 = math.absf %get3A_337 : vector<16xf32>
      %neg3A_341 = arith.constant 0.000000e+00 : f32
      %neg3A_342 = vector.broadcast %neg3A_341 : f32 to vector<16xf32>
      %neg3A_343 = arith.subf %neg3A_342, %abs3A_340 : vector<16xf32>
      %exp3A_344 = math.exp %neg3A_343 : vector<16xf32>
      %max3A_345 = arith.constant 0.000000e+00 : f32
      %max3A_346 = vector.broadcast %max3A_345 : f32 to vector<16xf32>
      %max3A_347 = arith.maximumf %get3A_337, %max3A_346 : vector<16xf32>
      %mul3A_348 = arith.mulf %get3A_337, %get3A_339 : vector<16xf32>
      %sub3A_349 = arith.subf %max3A_347, %mul3A_348 : vector<16xf32>
      %broadcast_in_dim3A_350 = arith.constant 0.0101187564 : f32
      %broadcast_in_dim3A_351 = vector.broadcast %broadcast_in_dim3A_350 : f32 to vector<16xf32>
      %mul3A_352 = arith.mulf %broadcast_in_dim3A_351, %exp3A_344 : vector<16xf32>
      %add3A_353 = arith.constant -0.0526234135 : f32
      %add3A_354 = vector.broadcast %add3A_353 : f32 to vector<16xf32>
      %add3A_355 = arith.addf %mul3A_352, %add3A_354 : vector<16xf32>
      %mul3A_356 = arith.mulf %add3A_355, %exp3A_344 : vector<16xf32>
      %add3A_357 = arith.constant 0.130762547 : f32
      %add3A_358 = vector.broadcast %add3A_357 : f32 to vector<16xf32>
      %add3A_359 = arith.addf %mul3A_356, %add3A_358 : vector<16xf32>
      %mul3A_360 = arith.mulf %add3A_359, %exp3A_344 : vector<16xf32>
      %add3A_361 = arith.constant -0.222834095 : f32
      %add3A_362 = vector.broadcast %add3A_361 : f32 to vector<16xf32>
      %add3A_363 = arith.addf %mul3A_360, %add3A_362 : vector<16xf32>
      %mul3A_364 = arith.mulf %add3A_363, %exp3A_344 : vector<16xf32>
      %add3A_365 = arith.constant 0.326972097 : f32
      %add3A_366 = vector.broadcast %add3A_365 : f32 to vector<16xf32>
      %add3A_367 = arith.addf %mul3A_364, %add3A_366 : vector<16xf32>
      %mul3A_368 = arith.mulf %add3A_367, %exp3A_344 : vector<16xf32>
      %add3A_369 = arith.constant -0.499206334 : f32
      %add3A_370 = vector.broadcast %add3A_369 : f32 to vector<16xf32>
      %add3A_371 = arith.addf %mul3A_368, %add3A_370 : vector<16xf32>
      %mul3A_372 = arith.mulf %add3A_371, %exp3A_344 : vector<16xf32>
      %add3A_373 = arith.constant 0.999957442 : f32
      %add3A_374 = vector.broadcast %add3A_373 : f32 to vector<16xf32>
      %add3A_375 = arith.addf %mul3A_372, %add3A_374 : vector<16xf32>
      %mul3A_376 = arith.mulf %add3A_375, %exp3A_344 : vector<16xf32>
      %add3A_377 = arith.constant 5.6311319E-7 : f32
      %add3A_378 = vector.broadcast %add3A_377 : f32 to vector<16xf32>
      %add3A_379 = arith.addf %mul3A_376, %add3A_378 : vector<16xf32>
      %add3A_380 = arith.addf %sub3A_349, %add3A_379 : vector<16xf32>
      %swap3A_381 = arith.index_cast %mul3A_335 : i32 to index
      %swap3A_382 = tpu.vector_load %arg7[%swap3A_381] {strides = array<i32>} : memref<4096xf32, #tpu.memory_space<vmem>>, vector<16xf32>,
      tpu.vector_store %arg7[%swap3A_381], %add3A_380 {strides = array<i32>} : memref<4096xf32, #tpu.memory_space<vmem>>, vector<16xf32>,
      %ge3A_383 = arith.constant 0.000000e+00 : f32
      %ge3A_384 = vector.broadcast %ge3A_383 : f32 to vector<16xf32>
      %ge3A_385 = arith.cmpf oge, %get3A_337, %ge3A_384 : vector<16xf32>
      %jit3A_386 = arith.constant 1.000000e+00 : f32
      %jit3A_387 = arith.constant 0.000000e+00 : f32
      %broadcast_in_dim3A_388 = vector.broadcast %jit3A_386 : f32 to vector<16xf32>
      %broadcast_in_dim3A_389 = vector.broadcast %jit3A_387 : f32 to vector<16xf32>
      %select_n3A_390 = arith.select %ge3A_385, %broadcast_in_dim3A_388, %broadcast_in_dim3A_389 : vector<16xi1>, vector<16xf32>
      %add3A_391 = arith.addf %scan3A_123, %select_n3A_390 : vector<16xf32>
      %jit3A_392 = arith.constant 0.000000e+00 : f32
      %broadcast_in_dim3A_393 = vector.broadcast %jit3A_392 : f32 to vector<16xf32>
      %select_n3A_394 = arith.select %ge3A_385, %add3A_380, %broadcast_in_dim3A_393 : vector<16xi1>, vector<16xf32>
      %add3A_395 = arith.addf %scan3A_125, %select_n3A_394 : vector<16xf32>
      %jit3A_396 = arith.constant 0.000000e+00 : f32
      %broadcast_in_dim3A_397 = vector.broadcast %jit3A_396 : f32 to vector<16xf32>
      %select_n3A_398 = arith.select %ge3A_385, %broadcast_in_dim3A_397, %add3A_380 : vector<16xi1>, vector<16xf32>
      %add3A_399 = arith.addf %scan3A_124, %select_n3A_398 : vector<16xf32>
      scf.yield %add3A_181, %add3A_189, %add3A_185, %add3A_251, %add3A_259, %add3A_255, %add3A_321, %add3A_329, %add3A_325, %add3A_391, %add3A_399, %add3A_395 : vector<16xf32>, vector<16xf32>, vector<16xf32>, vector<16xf32>, vector<16xf32>, vector<16xf32>, vector<16xf32>, vector<16xf32>, vector<16xf32>, vector<16xf32>, vector<16xf32>, vector<16xf32>
    }
    %scan3A_12 = arith.constant 64 : i32
    %add3A = arith.addf %scan3A_11#0, %scan3A_11#3 : vector<16xf32>
    %add3A_13 = arith.addf %add3A, %scan3A_11#6 : vector<16xf32>
    %add3A_14 = arith.addf %add3A_13, %scan3A_11#9 : vector<16xf32>
    %add3A_15 = arith.addf %scan3A_11#1, %scan3A_11#4 : vector<16xf32>
    %add3A_16 = arith.addf %add3A_15, %scan3A_11#7 : vector<16xf32>
    %add3A_17 = arith.addf %add3A_16, %scan3A_11#10 : vector<16xf32>
    %add3A_18 = arith.addf %scan3A_11#2, %scan3A_11#5 : vector<16xf32>
    %add3A_19 = arith.addf %add3A_18, %scan3A_11#8 : vector<16xf32>
    %add3A_20 = arith.addf %add3A_19, %scan3A_11#11 : vector<16xf32>
    %swap3A = arith.constant 0 : index
    %swap3A_21 = tpu.vector_load %arg9[%swap3A] {strides = array<i32>} : memref<48xf32, #tpu.memory_space<vmem>>, vector<16xf32>,
    tpu.vector_store %arg9[%swap3A], %add3A_14 {strides = array<i32>} : memref<48xf32, #tpu.memory_space<vmem>>, vector<16xf32>,
    %swap3A_22 = arith.constant 16 : index
    %swap3A_23 = tpu.vector_load %arg9[%swap3A_22] {strides = array<i32>} : memref<48xf32, #tpu.memory_space<vmem>>, vector<16xf32>,
    tpu.vector_store %arg9[%swap3A_22], %add3A_17 {strides = array<i32>} : memref<48xf32, #tpu.memory_space<vmem>>, vector<16xf32>,
    %swap3A_24 = arith.constant 32 : index
    %swap3A_25 = tpu.vector_load %arg9[%swap3A_24] {strides = array<i32>} : memref<48xf32, #tpu.memory_space<vmem>>, vector<16xf32>,
    tpu.vector_store %arg9[%swap3A_24], %add3A_20 {strides = array<i32>} : memref<48xf32, #tpu.memory_space<vmem>>, vector<16xf32>,
    %mul3A_26 = arith.constant 3 : i32
    %mul3A_27 = arith.muli %arg1, %mul3A_26 : i32
    %mul3A_28 = arith.constant 16 : i32
    %mul3A_29 = arith.muli %mul3A_27, %mul3A_28 : i32
    "tpu.region"() ({
      %run_scoped3A = tpu.sem_alloc : memref<!tpu.dma_semaphore, #tpu.memory_space<semaphore_mem>>
      %dma_start3A_113 = tpu.memref_slice %arg13[%mul3A_29] : memref<768xf32, #tpu.memory_space<vmem_shared>> -> memref<48xf32, #tpu.memory_space<vmem_shared>>
      %dma_start3A_114 = tpu.memref_slice %arg13[%mul3A_29] : memref<768xf32, #tpu.memory_space<vmem_shared>> -> memref<48xf32, #tpu.memory_space<vmem_shared>>
      tpu.enqueue_dma source(%arg9 : memref<48xf32, #tpu.memory_space<vmem>>) target(%dma_start3A_114 : memref<48xf32, #tpu.memory_space<vmem_shared>>) target_semaphore(%run_scoped3A : memref<!tpu.dma_semaphore, #tpu.memory_space<semaphore_mem>>)
      %dma_wait3A_115 = tpu.memref_slice %arg13[%mul3A_29] : memref<768xf32, #tpu.memory_space<vmem_shared>> -> memref<48xf32, #tpu.memory_space<vmem_shared>>
      %dma_wait3A_116 = tpu.memref_slice %arg13[%mul3A_29] : memref<768xf32, #tpu.memory_space<vmem_shared>> -> memref<48xf32, #tpu.memory_space<vmem_shared>>
      tpu.wait_dma2 semaphore(%run_scoped3A : memref<!tpu.dma_semaphore, #tpu.memory_space<semaphore_mem>>) src(%arg9 : memref<48xf32, #tpu.memory_space<vmem>>) dst(%dma_wait3A_116 : memref<48xf32, #tpu.memory_space<vmem_shared>>)
      tpu.yield
    }) : () -> ()
    %barrier3A = arith.constant 0 : index
    tpu.barrier barrier_id(%barrier3A)
    "tpu.region"() ({
      %run_scoped3A = tpu.sem_alloc : memref<!tpu.dma_semaphore, #tpu.memory_space<semaphore_mem>>
      tpu.enqueue_dma source(%arg13 : memref<768xf32, #tpu.memory_space<vmem_shared>>) target(%arg10 : memref<768xf32, #tpu.memory_space<vmem>>) target_semaphore(%run_scoped3A : memref<!tpu.dma_semaphore, #tpu.memory_space<semaphore_mem>>)
      tpu.wait_dma2 semaphore(%run_scoped3A : memref<!tpu.dma_semaphore, #tpu.memory_space<semaphore_mem>>) src(%arg13 : memref<768xf32, #tpu.memory_space<vmem_shared>>) dst(%arg10 : memref<768xf32, #tpu.memory_space<vmem>>)
      tpu.yield
    }) : () -> ()
    %scan3A_30 = arith.constant 0 : i32
    %scan3A_31 = arith.constant 16 : i32
    %scan3A_32 = arith.addi %scan3A_30, %scan3A_31 : i32
    %scan3A_33 = arith.constant 1 : i32
    %scan3A_34:3 = scf.for %scan3A_113 = %scan3A_30 to %scan3A_32 step %scan3A_33 iter_args(%scan3A_114 = %broadcast_in_dim3A_7, %scan3A_115 = %broadcast_in_dim3A_7, %scan3A_116 = %broadcast_in_dim3A_7) -> (vector<16xf32>, vector<16xf32>, vector<16xf32>)  : i32 {
      %mul3A_117 = arith.constant 3 : i32
      %mul3A_118 = arith.muli %scan3A_113, %mul3A_117 : i32
      %mul3A_119 = arith.constant 16 : i32
      %mul3A_120 = arith.muli %mul3A_118, %mul3A_119 : i32
      %get3A = arith.index_cast %mul3A_120 : i32 to index
      %get3A_121 = tpu.vector_load %arg10[%get3A] {strides = array<i32>} : memref<768xf32, #tpu.memory_space<vmem>>, vector<16xf32>,
      %add3A_122 = arith.addf %scan3A_114, %get3A_121 : vector<16xf32>
      %add3A_123 = arith.constant 16 : i32
      %add3A_124 = arith.addi %mul3A_120, %add3A_123 : i32
      %get3A_125 = arith.index_cast %add3A_124 : i32 to index
      %get3A_126 = tpu.vector_load %arg10[%get3A_125] {strides = array<i32>} : memref<768xf32, #tpu.memory_space<vmem>>, vector<16xf32>,
      %add3A_127 = arith.addf %scan3A_115, %get3A_126 : vector<16xf32>
      %add3A_128 = arith.constant 32 : i32
      %add3A_129 = arith.addi %mul3A_120, %add3A_128 : i32
      %get3A_130 = arith.index_cast %add3A_129 : i32 to index
      %get3A_131 = tpu.vector_load %arg10[%get3A_130] {strides = array<i32>} : memref<768xf32, #tpu.memory_space<vmem>>, vector<16xf32>,
      %add3A_132 = arith.addf %scan3A_116, %get3A_131 : vector<16xf32>
      scf.yield %add3A_122, %add3A_127, %add3A_132 : vector<16xf32>, vector<16xf32>, vector<16xf32>
    }
    %scan3A_35 = arith.constant 16 : i32
    %reduce_sum3A = arith.constant true
    %reduce_sum3A_36 = vector.broadcast %reduce_sum3A : i1 to vector<16xi1>
    %reduce_sum3A_37 = tpu.scan <sum>, %scan3A_34#0 masked %reduce_sum3A_36 : vector<16xf32>, vector<16xi1> -> vector<16xf32>
    %reduce_sum3A_38 = vector.extract %reduce_sum3A_37[15] : f32 from vector<16xf32>
    %convert_element_type3A = arith.fptosi %reduce_sum3A_38 : f32 to i32
    %sub3A = arith.constant 65536 : i32
    %sub3A_39 = arith.subi %sub3A, %convert_element_type3A : i32
    %reduce_sum3A_40 = arith.constant true
    %reduce_sum3A_41 = vector.broadcast %reduce_sum3A_40 : i1 to vector<16xi1>
    %reduce_sum3A_42 = tpu.scan <sum>, %scan3A_34#1 masked %reduce_sum3A_41 : vector<16xf32>, vector<16xi1> -> vector<16xf32>
    %reduce_sum3A_43 = vector.extract %reduce_sum3A_42[15] : f32 from vector<16xf32>
    %reduce_sum3A_44 = arith.constant true
    %reduce_sum3A_45 = vector.broadcast %reduce_sum3A_44 : i1 to vector<16xi1>
    %reduce_sum3A_46 = tpu.scan <sum>, %scan3A_34#2 masked %reduce_sum3A_45 : vector<16xf32>, vector<16xi1> -> vector<16xf32>
    %reduce_sum3A_47 = vector.extract %reduce_sum3A_46[15] : f32 from vector<16xf32>
    %min3A = arith.minsi %sub3A_39, %convert_element_type3A : i32
    %add3A_48 = arith.constant 1 : i32
    %add3A_49 = arith.addi %min3A, %add3A_48 : i32
    %mul3A_50 = arith.constant 3 : i32
    %mul3A_51 = arith.muli %mul3A_50, %add3A_49 : i32
    %max3A = arith.maxsi %min3A, %mul3A_51 : i32
    %gt3A = arith.cmpi sgt, %convert_element_type3A, %sub3A_39 : i32
    %max3A_52 = arith.maxsi %sub3A_39, %convert_element_type3A : i32
    %min3A_53 = arith.minsi %max3A, %max3A_52 : i32
    %select_n3A = arith.select %gt3A, %reduce_sum3A_47, %reduce_sum3A_43 : f32
    %eq3A = arith.cmpi eq, %min3A_53, %max3A_52 : i32
    %not3A = arith.constant true
    %not3A_54 = arith.xori %eq3A, %not3A : i1
    %convert_element_type3A_55 = arith.extui %not3A_54 : i1 to i32
    %cond3A = arith.constant 0 : i32
    %cond3A_56 = arith.cmpi ne, %convert_element_type3A_55, %cond3A : i32
    scf.if %cond3A_56 {
      %jit3A = arith.constant 1 : i32
      %jit3A_113 = arith.constant 0 : i32
      %select_n3A_114 = arith.select %gt3A, %jit3A, %jit3A_113 : i32
      %scan3A_115 = arith.constant 0 : i32
      %scan3A_116 = arith.constant 0 : i32
      %scan3A_117 = arith.constant 256 : i32
      %scan3A_118 = arith.addi %scan3A_116, %scan3A_117 : i32
      %scan3A_119 = arith.constant 1 : i32
      %scan3A_120 = scf.for %scan3A_123 = %scan3A_116 to %scan3A_118 step %scan3A_119 iter_args(%scan3A_124 = %scan3A_115) -> (i32)  : i32 {
        %mul3A_125 = arith.constant 16 : i32
        %mul3A_126 = arith.muli %scan3A_123, %mul3A_125 : i32
        %get3A = arith.index_cast %mul3A_126 : i32 to index
        %get3A_127 = tpu.vector_load %arg5[%get3A] {strides = array<i32>} : memref<4096xf32, #tpu.memory_space<vmem>>, vector<16xf32>,
        %get3A_128 = arith.index_cast %mul3A_126 : i32 to index
        %get3A_129 = tpu.vector_load %arg7[%get3A_128] {strides = array<i32>} : memref<4096xf32, #tpu.memory_space<vmem>>, vector<16xf32>,
        %bitcast3A = vector.bitcast %get3A_129 : vector<16xf32> to vector<16xi32>
        %ge3A = arith.constant 0.000000e+00 : f32
        %ge3A_130 = vector.broadcast %ge3A : f32 to vector<16xf32>
        %ge3A_131 = arith.cmpf oge, %get3A_127, %ge3A_130 : vector<16xf32>
        %jit3A_132 = arith.constant 1 : i32
        %jit3A_133 = arith.constant 0 : i32
        %broadcast_in_dim3A_134 = vector.broadcast %jit3A_132 : i32 to vector<16xi32>
        %broadcast_in_dim3A_135 = vector.broadcast %jit3A_133 : i32 to vector<16xi32>
        %select_n3A_136 = arith.select %ge3A_131, %broadcast_in_dim3A_134, %broadcast_in_dim3A_135 : vector<16xi1>, vector<16xi32>
        %mul3A_137 = vector.broadcast %select_n3A_114 : i32 to vector<16xi32>
        %mul3A_138 = arith.muli %select_n3A_136, %mul3A_137 : vector<16xi32>
        %sub3A_139 = arith.constant 1 : i32
        %sub3A_140 = vector.broadcast %sub3A_139 : i32 to vector<16xi32>
        %sub3A_141 = arith.subi %sub3A_140, %select_n3A_136 : vector<16xi32>
        %sub3A_142 = arith.constant 1 : i32
        %sub3A_143 = arith.subi %sub3A_142, %select_n3A_114 : i32
        %mul3A_144 = vector.broadcast %sub3A_143 : i32 to vector<16xi32>
        %mul3A_145 = arith.muli %sub3A_141, %mul3A_144 : vector<16xi32>
        %add3A_146 = arith.addi %mul3A_138, %mul3A_145 : vector<16xi32>
        %mul3A_147 = arith.muli %bitcast3A, %add3A_146 : vector<16xi32>
        %sub3A_148 = arith.constant 1 : i32
        %sub3A_149 = vector.broadcast %sub3A_148 : i32 to vector<16xi32>
        %sub3A_150 = arith.subi %add3A_146, %sub3A_149 : vector<16xi32>
        %add3A_151 = arith.addi %mul3A_147, %sub3A_150 : vector<16xi32>
        %swap3A_152 = arith.index_cast %mul3A_126 : i32 to index
        %swap3A_153 = tpu.vector_load %arg8[%swap3A_152] {strides = array<i32>} : memref<4096xi32, #tpu.memory_space<vmem>>, vector<16xi32>,
        tpu.vector_store %arg8[%swap3A_152], %add3A_151 {strides = array<i32>} : memref<4096xi32, #tpu.memory_space<vmem>>, vector<16xi32>,
        %scan3A_154 = arith.constant 0 : i32
        scf.yield %scan3A_154 : i32
      }
      %scan3A_121 = arith.constant 256 : i32
      "tpu.region"() ({
        %run_scoped3A = tpu.sem_alloc : memref<!tpu.dma_semaphore, #tpu.memory_space<semaphore_mem>>
        %dma_start3A_123 = tpu.memref_slice %arg14[%mul3A_0] : memref<65536xi32, #tpu.memory_space<vmem_shared>> -> memref<4096xi32, #tpu.memory_space<vmem_shared>>
        %dma_start3A_124 = tpu.memref_slice %arg14[%mul3A_0] : memref<65536xi32, #tpu.memory_space<vmem_shared>> -> memref<4096xi32, #tpu.memory_space<vmem_shared>>
        tpu.enqueue_dma source(%arg8 : memref<4096xi32, #tpu.memory_space<vmem>>) target(%dma_start3A_124 : memref<4096xi32, #tpu.memory_space<vmem_shared>>) target_semaphore(%run_scoped3A : memref<!tpu.dma_semaphore, #tpu.memory_space<semaphore_mem>>)
        %dma_wait3A_125 = tpu.memref_slice %arg14[%mul3A_0] : memref<65536xi32, #tpu.memory_space<vmem_shared>> -> memref<4096xi32, #tpu.memory_space<vmem_shared>>
        %dma_wait3A_126 = tpu.memref_slice %arg14[%mul3A_0] : memref<65536xi32, #tpu.memory_space<vmem_shared>> -> memref<4096xi32, #tpu.memory_space<vmem_shared>>
        tpu.wait_dma2 semaphore(%run_scoped3A : memref<!tpu.dma_semaphore, #tpu.memory_space<semaphore_mem>>) src(%arg8 : memref<4096xi32, #tpu.memory_space<vmem>>) dst(%dma_wait3A_126 : memref<4096xi32, #tpu.memory_space<vmem_shared>>)
        tpu.yield
      }) : () -> ()
      %barrier3A_122 = arith.constant 0 : index
      tpu.barrier barrier_id(%barrier3A_122)
    } else {
    }
    %convert_element_type3A_57 = arith.extui %eq3A : i1 to i32
    %cond3A_58 = arith.constant 0 : i32
    %cond3A_59 = arith.cmpi ne, %convert_element_type3A_57, %cond3A_58 : i32
    %cond3A_60:2 = scf.if %cond3A_59 -> (vector<16xf32>, vector<16xf32>) {
      %broadcast_in_dim3A_113 = vector.broadcast %select_n3A : f32 to vector<16xf32>
      %max3A_114 = arith.constant 1 : i32
      %max3A_115 = arith.maxsi %max3A_52, %max3A_114 : i32
      %convert_element_type3A_116 = arith.sitofp %max3A_115 : i32 to f32
      %broadcast_in_dim3A_117 = vector.broadcast %convert_element_type3A_116 : f32 to vector<16xf32>
      scf.yield %broadcast_in_dim3A_113, %broadcast_in_dim3A_117 : vector<16xf32>, vector<16xf32>
    } else {
      "tpu.region"() ({
        %run_scoped3A = tpu.sem_alloc : memref<!tpu.dma_semaphore, #tpu.memory_space<semaphore_mem>>
        tpu.enqueue_dma source(%arg14 : memref<65536xi32, #tpu.memory_space<vmem_shared>>) target(%arg11 : memref<65536xi32, #tpu.memory_space<vmem>>) target_semaphore(%run_scoped3A : memref<!tpu.dma_semaphore, #tpu.memory_space<semaphore_mem>>)
        tpu.wait_dma2 semaphore(%run_scoped3A : memref<!tpu.dma_semaphore, #tpu.memory_space<semaphore_mem>>) src(%arg14 : memref<65536xi32, #tpu.memory_space<vmem_shared>>) dst(%arg11 : memref<65536xi32, #tpu.memory_space<vmem>>)
        tpu.yield
      }) : () -> ()
      %scan3A_113 = arith.constant 0 : i32
      %scan3A_114 = arith.constant 0 : i32
      %scan3A_115 = arith.constant 31 : i32
      %scan3A_116 = arith.addi %scan3A_114, %scan3A_115 : i32
      %scan3A_117 = arith.constant 1 : i32
      %scan3A_118 = scf.for %scan3A_144 = %scan3A_114 to %scan3A_116 step %scan3A_117 iter_args(%scan3A_145 = %scan3A_113) -> (i32)  : i32 {
        %sub3A_146 = arith.constant 30 : i32
        %sub3A_147 = arith.subi %sub3A_146, %scan3A_144 : i32
        %shift_left3A = arith.constant 1 : i32
        %shift_left3A_148 = arith.shli %shift_left3A, %sub3A_147 : i32
        %or3A = arith.ori %scan3A_145, %shift_left3A_148 : i32
        %scan3A_149 = arith.constant 0 : i32
        %scan3A_150 = arith.constant 4096 : i32
        %scan3A_151 = arith.addi %scan3A_149, %scan3A_150 : i32
        %scan3A_152 = arith.constant 1 : i32
        %scan3A_153 = scf.for %scan3A_161 = %scan3A_149 to %scan3A_151 step %scan3A_152 iter_args(%scan3A_162 = %broadcast_in_dim3A_7) -> (vector<16xf32>)  : i32 {
          %mul3A_163 = arith.constant 16 : i32
          %mul3A_164 = arith.muli %scan3A_161, %mul3A_163 : i32
          %get3A = arith.index_cast %mul3A_164 : i32 to index
          %get3A_165 = tpu.vector_load %arg11[%get3A] {strides = array<i32>} : memref<65536xi32, #tpu.memory_space<vmem>>, vector<16xi32>,
          %ge3A_166 = vector.broadcast %or3A : i32 to vector<16xi32>
          %ge3A_167 = arith.cmpi sge, %get3A_165, %ge3A_166 : vector<16xi32>
          %jit3A = arith.constant 1.000000e+00 : f32
          %jit3A_168 = arith.constant 0.000000e+00 : f32
          %broadcast_in_dim3A_169 = vector.broadcast %jit3A : f32 to vector<16xf32>
          %broadcast_in_dim3A_170 = vector.broadcast %jit3A_168 : f32 to vector<16xf32>
          %select_n3A_171 = arith.select %ge3A_167, %broadcast_in_dim3A_169, %broadcast_in_dim3A_170 : vector<16xi1>, vector<16xf32>
          %add3A_172 = arith.addf %scan3A_162, %select_n3A_171 : vector<16xf32>
          scf.yield %add3A_172 : vector<16xf32>
        }
        %scan3A_154 = arith.constant 4096 : i32
        %reduce_sum3A_155 = arith.constant true
        %reduce_sum3A_156 = vector.broadcast %reduce_sum3A_155 : i1 to vector<16xi1>
        %reduce_sum3A_157 = tpu.scan <sum>, %scan3A_153 masked %reduce_sum3A_156 : vector<16xf32>, vector<16xi1> -> vector<16xf32>
        %reduce_sum3A_158 = vector.extract %reduce_sum3A_157[15] : f32 from vector<16xf32>
        %convert_element_type3A_159 = arith.fptosi %reduce_sum3A_158 : f32 to i32
        %ge3A = arith.cmpi sge, %convert_element_type3A_159, %min3A_53 : i32
        %select_n3A_160 = arith.select %ge3A, %or3A, %scan3A_145 : i32
        scf.yield %select_n3A_160 : i32
      }
      %scan3A_119 = arith.constant 31 : i32
      %broadcast_in_dim3A_120 = vector.broadcast %scan3A_118 : i32 to vector<16xi32>
      %bitcast3A = vector.bitcast %broadcast_in_dim3A_120 : vector<16xi32> to vector<16xf32>
      %scan3A_121 = arith.constant 0 : i32
      %scan3A_122 = arith.constant 4096 : i32
      %scan3A_123 = arith.addi %scan3A_121, %scan3A_122 : i32
      %scan3A_124 = arith.constant 1 : i32
      %scan3A_125:2 = scf.for %scan3A_144 = %scan3A_121 to %scan3A_123 step %scan3A_124 iter_args(%scan3A_145 = %broadcast_in_dim3A_7, %scan3A_146 = %broadcast_in_dim3A_7) -> (vector<16xf32>, vector<16xf32>)  : i32 {
        %mul3A_147 = arith.constant 16 : i32
        %mul3A_148 = arith.muli %scan3A_144, %mul3A_147 : i32
        %get3A = arith.index_cast %mul3A_148 : i32 to index
        %get3A_149 = tpu.vector_load %arg11[%get3A] {strides = array<i32>} : memref<65536xi32, #tpu.memory_space<vmem>>, vector<16xi32>,
        %gt3A_150 = vector.broadcast %scan3A_118 : i32 to vector<16xi32>
        %gt3A_151 = arith.cmpi sgt, %get3A_149, %gt3A_150 : vector<16xi32>
        %jit3A = arith.constant 1.000000e+00 : f32
        %jit3A_152 = arith.constant 0.000000e+00 : f32
        %broadcast_in_dim3A_153 = vector.broadcast %jit3A : f32 to vector<16xf32>
        %broadcast_in_dim3A_154 = vector.broadcast %jit3A_152 : f32 to vector<16xf32>
        %select_n3A_155 = arith.select %gt3A_151, %broadcast_in_dim3A_153, %broadcast_in_dim3A_154 : vector<16xi1>, vector<16xf32>
        %add3A_156 = arith.addf %scan3A_145, %select_n3A_155 : vector<16xf32>
        %bitcast3A_157 = vector.bitcast %get3A_149 : vector<16xi32> to vector<16xf32>
        %jit3A_158 = arith.constant 0.000000e+00 : f32
        %broadcast_in_dim3A_159 = vector.broadcast %jit3A_158 : f32 to vector<16xf32>
        %select_n3A_160 = arith.select %gt3A_151, %bitcast3A_157, %broadcast_in_dim3A_159 : vector<16xi1>, vector<16xf32>
        %add3A_161 = arith.addf %scan3A_146, %select_n3A_160 : vector<16xf32>
        scf.yield %add3A_156, %add3A_161 : vector<16xf32>, vector<16xf32>
      }
      %scan3A_126 = arith.constant 4096 : i32
      %reduce_sum3A_127 = arith.constant true
      %reduce_sum3A_128 = vector.broadcast %reduce_sum3A_127 : i1 to vector<16xi1>
      %reduce_sum3A_129 = tpu.scan <sum>, %scan3A_125#0 masked %reduce_sum3A_128 : vector<16xf32>, vector<16xi1> -> vector<16xf32>
      %reduce_sum3A_130 = vector.extract %reduce_sum3A_129[15] : f32 from vector<16xf32>
      %convert_element_type3A_131 = arith.fptosi %reduce_sum3A_130 : f32 to i32
      %reduce_sum3A_132 = arith.constant true
      %reduce_sum3A_133 = vector.broadcast %reduce_sum3A_132 : i1 to vector<16xi1>
      %reduce_sum3A_134 = tpu.scan <sum>, %scan3A_125#1 masked %reduce_sum3A_133 : vector<16xf32>, vector<16xi1> -> vector<16xf32>
      %reduce_sum3A_135 = vector.extract %reduce_sum3A_134[15] : f32 from vector<16xf32>
      %broadcast_in_dim3A_136 = vector.broadcast %reduce_sum3A_135 : f32 to vector<16xf32>
      %sub3A_137 = arith.subi %min3A_53, %convert_element_type3A_131 : i32
      %convert_element_type3A_138 = arith.sitofp %sub3A_137 : i32 to f32
      %broadcast_in_dim3A_139 = vector.broadcast %convert_element_type3A_138 : f32 to vector<16xf32>
      %mul3A_140 = arith.mulf %broadcast_in_dim3A_139, %bitcast3A : vector<16xf32>
      %add3A_141 = arith.addf %broadcast_in_dim3A_136, %mul3A_140 : vector<16xf32>
      %convert_element_type3A_142 = arith.sitofp %min3A_53 : i32 to f32
      %broadcast_in_dim3A_143 = vector.broadcast %convert_element_type3A_142 : f32 to vector<16xf32>
      scf.yield %add3A_141, %broadcast_in_dim3A_143 : vector<16xf32>, vector<16xf32>
    }
    %div3A = arith.divf %cond3A_60#0, %cond3A_60#1 : vector<16xf32>
    %broadcast_in_dim3A_61 = vector.broadcast %reduce_sum3A_43 : f32 to vector<16xf32>
    %max3A_62 = arith.constant 1 : i32
    %max3A_63 = arith.maxsi %sub3A_39, %max3A_62 : i32
    %convert_element_type3A_64 = arith.sitofp %max3A_63 : i32 to f32
    %broadcast_in_dim3A_65 = vector.broadcast %convert_element_type3A_64 : f32 to vector<16xf32>
    %div3A_66 = arith.divf %broadcast_in_dim3A_61, %broadcast_in_dim3A_65 : vector<16xf32>
    %broadcast_in_dim3A_67 = vector.broadcast %reduce_sum3A_47 : f32 to vector<16xf32>
    %max3A_68 = arith.constant 1 : i32
    %max3A_69 = arith.maxsi %convert_element_type3A, %max3A_68 : i32
    %convert_element_type3A_70 = arith.sitofp %max3A_69 : i32 to f32
    %broadcast_in_dim3A_71 = vector.broadcast %convert_element_type3A_70 : f32 to vector<16xf32>
    %div3A_72 = arith.divf %broadcast_in_dim3A_67, %broadcast_in_dim3A_71 : vector<16xf32>
    %eq3A_73 = arith.cmpi eq, %sub3A_39, %min3A : i32
    %convert_element_type3A_74 = arith.extui %eq3A_73 : i1 to i32
    %convert_element_type3A_75 = arith.sitofp %convert_element_type3A_74 : i32 to f32
    %broadcast_in_dim3A_76 = vector.broadcast %convert_element_type3A_75 : f32 to vector<16xf32>
    %eq3A_77 = arith.cmpi eq, %convert_element_type3A, %min3A : i32
    %convert_element_type3A_78 = arith.extui %eq3A_77 : i1 to i32
    %convert_element_type3A_79 = arith.sitofp %convert_element_type3A_78 : i32 to f32
    %broadcast_in_dim3A_80 = vector.broadcast %convert_element_type3A_79 : f32 to vector<16xf32>
    %gt3A_81 = arith.constant 0 : i32
    %gt3A_82 = arith.cmpi sgt, %sub3A_39, %gt3A_81 : i32
    %convert_element_type3A_83 = arith.extui %gt3A_82 : i1 to i32
    %convert_element_type3A_84 = arith.sitofp %convert_element_type3A_83 : i32 to f32
    %broadcast_in_dim3A_85 = vector.broadcast %convert_element_type3A_84 : f32 to vector<16xf32>
    %gt3A_86 = arith.constant 0 : i32
    %gt3A_87 = arith.cmpi sgt, %convert_element_type3A, %gt3A_86 : i32
    %convert_element_type3A_88 = arith.extui %gt3A_87 : i1 to i32
    %convert_element_type3A_89 = arith.sitofp %convert_element_type3A_88 : i32 to f32
    %broadcast_in_dim3A_90 = vector.broadcast %convert_element_type3A_89 : f32 to vector<16xf32>
    %broadcast_in_dim3A_91 = arith.constant 1.000000e+00 : f32
    %broadcast_in_dim3A_92 = vector.broadcast %broadcast_in_dim3A_91 : f32 to vector<16xf32>
    %mul3A_93 = arith.mulf %broadcast_in_dim3A_76, %broadcast_in_dim3A_85 : vector<16xf32>
    %mul3A_94 = arith.mulf %mul3A_93, %div3A_66 : vector<16xf32>
    %sub3A_95 = arith.subf %broadcast_in_dim3A_92, %broadcast_in_dim3A_76 : vector<16xf32>
    %mul3A_96 = arith.mulf %sub3A_95, %div3A : vector<16xf32>
    %add3A_97 = arith.addf %mul3A_94, %mul3A_96 : vector<16xf32>
    %mul3A_98 = arith.mulf %broadcast_in_dim3A_80, %broadcast_in_dim3A_90 : vector<16xf32>
    %mul3A_99 = arith.mulf %mul3A_98, %div3A_72 : vector<16xf32>
    %sub3A_100 = arith.subf %broadcast_in_dim3A_92, %broadcast_in_dim3A_80 : vector<16xf32>
    %mul3A_101 = arith.mulf %sub3A_100, %div3A : vector<16xf32>
    %add3A_102 = arith.addf %mul3A_99, %mul3A_101 : vector<16xf32>
    %add3A_103 = arith.addf %broadcast_in_dim3A_85, %broadcast_in_dim3A_90 : vector<16xf32>
    %add3A_104 = arith.addf %add3A_97, %add3A_102 : vector<16xf32>
    %div3A_105 = arith.divf %add3A_104, %add3A_103 : vector<16xf32>
    %eq3A_106 = arith.constant 0 : i32
    %eq3A_107 = arith.cmpi eq, %arg0, %eq3A_106 : i32
    %eq3A_108 = arith.constant 0 : i32
    %eq3A_109 = arith.cmpi eq, %arg1, %eq3A_108 : i32
    %and3A = arith.andi %eq3A_107, %eq3A_109 : i1
    %convert_element_type3A_110 = arith.extui %and3A : i1 to i32
    %cond3A_111 = arith.constant 0 : i32
    %cond3A_112 = arith.cmpi ne, %convert_element_type3A_110, %cond3A_111 : i32
    scf.if %cond3A_112 {
      %swap3A_113 = arith.constant 0 : index
      %swap3A_114 = tpu.vector_load %arg12[%swap3A_113] {strides = array<i32>} : memref<16xf32, #tpu.memory_space<vmem>>, vector<16xf32>,
      tpu.vector_store %arg12[%swap3A_113], %div3A_105 {strides = array<i32>} : memref<16xf32, #tpu.memory_space<vmem>>, vector<16xf32>,
      "tpu.region"() ({
        %run_scoped3A = tpu.sem_alloc : memref<!tpu.dma_semaphore, #tpu.memory_space<semaphore_mem>>
        tpu.enqueue_dma source(%arg12 : memref<16xf32, #tpu.memory_space<vmem>>) target(%arg4 : memref<16xf32, #tpu.memory_space<hbm>>) target_semaphore(%run_scoped3A : memref<!tpu.dma_semaphore, #tpu.memory_space<semaphore_mem>>)
        tpu.wait_dma2 semaphore(%run_scoped3A : memref<!tpu.dma_semaphore, #tpu.memory_space<semaphore_mem>>) src(%arg12 : memref<16xf32, #tpu.memory_space<vmem>>) dst(%arg4 : memref<16xf32, #tpu.memory_space<hbm>>)
        tpu.yield
      }) : () -> ()
    } else {
    }
    return
  }
}

module attributes {stable_mosaic.version = 14 : i64} {
  func.func @_tc_dense_kernel(%arg0: memref<512x128xf32, #tpu.memory_space<vmem>>, %arg1: memref<512x128xf32, #tpu.memory_space<vmem>>, %arg2: memref<1x1xf32, #tpu.memory_space<vmem>>, %arg3: memref<1x1xf32, #tpu.memory_space<vmem>>) attributes {dimension_semantics = [], scalar_prefetch = 0 : i64, scratch_operands = 0 : i64, tpu.core_type = #tpu.core_type<tc>} {
    %get3A = arith.constant 0 : index
    %get3A_0 = arith.constant 0 : index
    %get3A_1 = vector.load %arg0[%get3A, %get3A_0] : memref<512x128xf32, #tpu.memory_space<vmem>>, vector<512x128xf32>
    %get3A_2 = arith.constant 0 : index
    %get3A_3 = arith.constant 0 : index
    %get3A_4 = vector.load %arg1[%get3A_2, %get3A_3] : memref<512x128xf32, #tpu.memory_space<vmem>>, vector<512x128xf32>
    %max3A = arith.constant 0.000000e+00 : f32
    %max3A_5 = vector.broadcast %max3A : f32 to vector<512x128xf32>
    %max3A_6 = arith.maximumf %get3A_1, %max3A_5 : vector<512x128xf32>
    %mul3A = arith.mulf %get3A_1, %get3A_4 : vector<512x128xf32>
    %sub3A = arith.subf %max3A_6, %mul3A : vector<512x128xf32>
    %abs3A = math.absf %get3A_1 : vector<512x128xf32>
    %neg3A = arith.constant 0.000000e+00 : f32
    %neg3A_7 = vector.broadcast %neg3A : f32 to vector<512x128xf32>
    %neg3A_8 = arith.subf %neg3A_7, %abs3A : vector<512x128xf32>
    %exp3A = math.exp %neg3A_8 : vector<512x128xf32>
    %log1p3A = math.log1p %exp3A : vector<512x128xf32>
    %add3A = arith.addf %sub3A, %log1p3A : vector<512x128xf32>
    %logistic3A = arith.negf %get3A_1 : vector<512x128xf32>
    %logistic3A_9 = math.exp %logistic3A : vector<512x128xf32>
    %logistic3A_10 = arith.constant 1.000000e+00 : f32
    %logistic3A_11 = vector.broadcast %logistic3A_10 : f32 to vector<512x128xf32>
    %logistic3A_12 = arith.addf %logistic3A_11, %logistic3A_9 : vector<512x128xf32>
    %logistic3A_13 = arith.divf %logistic3A_11, %logistic3A_12 : vector<512x128xf32>
    %ge3A = arith.constant 5.000000e-01 : f32
    %ge3A_14 = vector.broadcast %ge3A : f32 to vector<512x128xf32>
    %ge3A_15 = arith.cmpf oge, %logistic3A_13, %ge3A_14 : vector<512x128xf32>
    %broadcast_in_dim3A = arith.constant 1.000000e+00 : f32
    %broadcast_in_dim3A_16 = vector.broadcast %broadcast_in_dim3A : f32 to vector<512x128xf32>
    %jit3A = arith.constant 0.000000e+00 : f32
    %broadcast_in_dim3A_17 = vector.broadcast %jit3A : f32 to vector<512x128xf32>
    %select_n3A = arith.select %ge3A_15, %broadcast_in_dim3A_16, %broadcast_in_dim3A_17 : vector<512x128xi1>, vector<512x128xf32>
    %reduce_sum3A = vector.shape_cast %select_n3A : vector<512x128xf32> to vector<1x512x128xf32>
    %reduce_sum3A_18 = arith.constant dense<0.000000e+00> : vector<1xf32>
    %reduce_sum3A_19 = vector.multi_reduction <add>, %reduce_sum3A, %reduce_sum3A_18 [1, 2] : vector<1x512x128xf32> to vector<1xf32>
    %reduce_sum3A_20 = vector.shape_cast %reduce_sum3A_19 : vector<1xf32> to vector<1x1x1xf32>
    %reduce_sum3A_21 = vector.extract %reduce_sum3A_20[0, 0, 0] : f32 from vector<1x1x1xf32>
    %convert_element_type3A = arith.fptosi %reduce_sum3A_21 : f32 to i32
    %sub3A_22 = arith.constant 65536 : i32
    %sub3A_23 = arith.subi %sub3A_22, %convert_element_type3A : i32
    %jit3A_24 = arith.constant 0.000000e+00 : f32
    %broadcast_in_dim3A_25 = vector.broadcast %jit3A_24 : f32 to vector<512x128xf32>
    %select_n3A_26 = arith.select %ge3A_15, %add3A, %broadcast_in_dim3A_25 : vector<512x128xi1>, vector<512x128xf32>
    %reduce_sum3A_27 = vector.shape_cast %select_n3A_26 : vector<512x128xf32> to vector<1x512x128xf32>
    %reduce_sum3A_28 = arith.constant dense<0.000000e+00> : vector<1xf32>
    %reduce_sum3A_29 = vector.multi_reduction <add>, %reduce_sum3A_27, %reduce_sum3A_28 [1, 2] : vector<1x512x128xf32> to vector<1xf32>
    %reduce_sum3A_30 = vector.shape_cast %reduce_sum3A_29 : vector<1xf32> to vector<1x1x1xf32>
    %reduce_sum3A_31 = vector.extract %reduce_sum3A_30[0, 0, 0] : f32 from vector<1x1x1xf32>
    %jit3A_32 = arith.constant 0.000000e+00 : f32
    %broadcast_in_dim3A_33 = vector.broadcast %jit3A_32 : f32 to vector<512x128xf32>
    %select_n3A_34 = arith.select %ge3A_15, %broadcast_in_dim3A_33, %add3A : vector<512x128xi1>, vector<512x128xf32>
    %reduce_sum3A_35 = vector.shape_cast %select_n3A_34 : vector<512x128xf32> to vector<1x512x128xf32>
    %reduce_sum3A_36 = arith.constant dense<0.000000e+00> : vector<1xf32>
    %reduce_sum3A_37 = vector.multi_reduction <add>, %reduce_sum3A_35, %reduce_sum3A_36 [1, 2] : vector<1x512x128xf32> to vector<1xf32>
    %reduce_sum3A_38 = vector.shape_cast %reduce_sum3A_37 : vector<1xf32> to vector<1x1x1xf32>
    %reduce_sum3A_39 = vector.extract %reduce_sum3A_38[0, 0, 0] : f32 from vector<1x1x1xf32>
    %min3A = arith.minsi %sub3A_23, %convert_element_type3A : i32
    %add3A_40 = arith.constant 1 : i32
    %add3A_41 = arith.addi %min3A, %add3A_40 : i32
    %mul3A_42 = arith.constant 3 : i32
    %mul3A_43 = arith.muli %mul3A_42, %add3A_41 : i32
    %max3A_44 = arith.maxsi %min3A, %mul3A_43 : i32
    %max3A_45 = arith.maxsi %sub3A_23, %convert_element_type3A : i32
    %min3A_46 = arith.minsi %max3A_44, %max3A_45 : i32
    %gt3A = arith.cmpi sgt, %convert_element_type3A, %sub3A_23 : i32
    %select_n3A_47 = arith.select %gt3A, %reduce_sum3A_31, %reduce_sum3A_39 : f32
    %eq3A = arith.cmpi eq, %min3A_46, %max3A_45 : i32
    %max3A_48 = arith.constant 1 : i32
    %max3A_49 = arith.maxsi %max3A_45, %max3A_48 : i32
    %convert_element_type3A_50 = arith.sitofp %max3A_49 : i32 to f32
    %div3A = arith.divf %select_n3A_47, %convert_element_type3A_50 : f32
    %max3A_51 = arith.constant 1 : i32
    %max3A_52 = arith.maxsi %sub3A_23, %max3A_51 : i32
    %convert_element_type3A_53 = arith.sitofp %max3A_52 : i32 to f32
    %div3A_54 = arith.divf %reduce_sum3A_39, %convert_element_type3A_53 : f32
    %max3A_55 = arith.constant 1 : i32
    %max3A_56 = arith.maxsi %convert_element_type3A, %max3A_55 : i32
    %convert_element_type3A_57 = arith.sitofp %max3A_56 : i32 to f32
    %div3A_58 = arith.divf %reduce_sum3A_31, %convert_element_type3A_57 : f32
    %eq3A_59 = arith.cmpi eq, %sub3A_23, %min3A : i32
    %gt3A_60 = arith.constant 0 : i32
    %gt3A_61 = arith.cmpi sgt, %sub3A_23, %gt3A_60 : i32
    %jit3A_62 = arith.constant 0.000000e+00 : f32
    %select_n3A_63 = arith.select %gt3A_61, %div3A_54, %jit3A_62 : f32
    %select_n3A_64 = arith.select %eq3A_59, %select_n3A_63, %div3A : f32
    %eq3A_65 = arith.cmpi eq, %convert_element_type3A, %min3A : i32
    %gt3A_66 = arith.constant 0 : i32
    %gt3A_67 = arith.cmpi sgt, %convert_element_type3A, %gt3A_66 : i32
    %jit3A_68 = arith.constant 0.000000e+00 : f32
    %select_n3A_69 = arith.select %gt3A_67, %div3A_58, %jit3A_68 : f32
    %select_n3A_70 = arith.select %eq3A_65, %select_n3A_69, %div3A : f32
    %gt3A_71 = arith.constant 0 : i32
    %gt3A_72 = arith.cmpi sgt, %sub3A_23, %gt3A_71 : i32
    %convert_element_type3A_73 = arith.extui %gt3A_72 : i1 to i32
    %convert_element_type3A_74 = arith.sitofp %convert_element_type3A_73 : i32 to f32
    %gt3A_75 = arith.constant 0 : i32
    %gt3A_76 = arith.cmpi sgt, %convert_element_type3A, %gt3A_75 : i32
    %convert_element_type3A_77 = arith.extui %gt3A_76 : i1 to i32
    %convert_element_type3A_78 = arith.sitofp %convert_element_type3A_77 : i32 to f32
    %add3A_79 = arith.addf %convert_element_type3A_74, %convert_element_type3A_78 : f32
    %add3A_80 = arith.addf %select_n3A_64, %select_n3A_70 : f32
    %div3A_81 = arith.divf %add3A_80, %add3A_79 : f32
    %convert_element_type3A_82 = arith.extui %eq3A : i1 to i32
    %convert_element_type3A_83 = arith.sitofp %convert_element_type3A_82 : i32 to f32
    %reshape3A = vector.broadcast %convert_element_type3A_83 : f32 to vector<1x1xf32>
    %swap3A = arith.constant 0 : index
    %swap3A_84 = arith.constant 0 : index
    %swap3A_85 = vector.load %arg2[%swap3A, %swap3A_84] : memref<1x1xf32, #tpu.memory_space<vmem>>, vector<1x1xf32>
    tpu.vector_store %arg2[%swap3A, %swap3A_84], %reshape3A {strides = array<i32>} : memref<1x1xf32, #tpu.memory_space<vmem>>, vector<1x1xf32>,
    %reshape3A_86 = vector.broadcast %div3A_81 : f32 to vector<1x1xf32>
    %swap3A_87 = arith.constant 0 : index
    %swap3A_88 = arith.constant 0 : index
    %swap3A_89 = vector.load %arg3[%swap3A_87, %swap3A_88] : memref<1x1xf32, #tpu.memory_space<vmem>>, vector<1x1xf32>
    tpu.vector_store %arg3[%swap3A_87, %swap3A_88], %reshape3A_86 {strides = array<i32>} : memref<1x1xf32, #tpu.memory_space<vmem>>, vector<1x1xf32>,
    return
  }
}

</mosaic_0001>

<sc_bundles>
// kernel: branch_0_fun.3.cloned.1.call-start
scs
__scs_entry_jumppad:
0x0: {  	(pc) =	sbr.rel $0x88, $3  }
0x1: {  	(tag) =	ssettag $0x0;
	lr =	simm.s32 $0x1  }
0x2: {  	[smem:$0x3F9F] =	sst lr;
	_ =	strace $0xD0000000  }
0x3: {  	_ = 	snop  }
0x4: {  	_ = 	snop  }
0x5: {  	_ = 	snop  }
0x6: {  	_ = 	snop  }
0x7: {  	_ = 	snop  }
__scs_overlays_trampoline_lowered:
0x8: {  	[smem:$0x3FAE] =	sst s0  }
0x9: {  	[smem:$0x3FAF] =	sst s1  }
0xa: {  	[smem:$0x3FB0] =	sst s2  }
0xb: {  	[smem:$0x3FB1] =	sst s3  }
0xc: {  	[smem:$0x3FB2] =	sst s4  }
0xd: {  	[smem:$0x3FB3] =	sst s5  }
0xe: {  	[smem:$0x3FB4] =	sst s6  }
0xf: {  	[smem:$0x3FB5] =	sst s7  }
0x10: {  	[smem:$0x3FB6] =	sst s8  }
0x11: {  	[smem:$0x3FB7] =	sst s9;
	s0 =	simm.s32 @!p0 $0x0  }
0x12: {  	s1 =	sld [smem:$0x3F9D];
	s0 =	simm.s32 @p0 $0x1  }
0x13: {  	[smem:$0x3FB8] =	sst s0;
	s0 =	simm.s32 @!p1 $0x0  }
0x14: {  	s2 =	sld [smem:$0x3F9C];
	s0 =	simm.s32 @p1 $0x1  }
0x15: {  	[smem:$0x3FB9] =	sst s0;
	s0 =	simm.s32 @!p2 $0x0  }
0x16: {  	s3 =	sld [smem:$0x3FDB];
	s0 =	simm.s32 @p2 $0x1  }
0x17: {  	s4 =	simm.s32 $0x1BF5;
	[smem:$0x3FBB] =	sst s0  }
0x18: {  	s0 =	sld [smem:$0x3F9E];
	_ =	swait.ge [sflag:s4], $0x0  }
0x19: {  	s7 =	sld [smem:$0x3F9F]  }
0x1a: {  	s8 =	sadd.s32 $0xFFFFE003, lr  }
0x1b: {  	s9 =	sadd.s32 $0xFFFFFEF7, lr;
	s5 =	simm.s32 $0xFFFFFFFF;
	p2 =	slt.u32 s8, $0xFFFFF086  }
0x1c: {  	p1 =	slt.u32 s9, $0xF7A;
	s5 =	simm.s32 @!p2 $0x0  }
0x1d: {  	s5 =	simm.s32 @p1 $0x1;
	p0 =	seq.s32 s7, s2  }
0x1e: {  	s7 =	smul.u32 @!p0 $0xF7A, s2;
	p2 =	seq.s32 @!p0 s5, $0x0  }
0x1f: {  	s9 =	smul.u32 $0xF7A, s1;
	s8 =	simm.s32 @!p0 $0x1BF5;
	p2 =	por !p2, p0  }
0x20: {  	[sflag:s8] =	ssyncset.s32 @!p0 $0xFFFFF086;
	s6 =	sadd.s32 @!p0 s3, s7;
	s7 =	simm.s32 @!p0 $0x108  }
0x21: {  	s3 =	sadd.s32 s3, s9;
	s6 =	sadd.s32 @!p0 $0x88, s6;
	s7 =	simm.s32 @p2 $0x1082  }
0x22: {  	[simem:s7], [sflag:s8] =	dma.local @!p0 [hbm:s6], $0xF7A  }
0x23: {  	s9 =	sor.u32 $0xD0000000, s2;
	s6 =	simm.s32 $0x108;
	_ =	swait.ge @!p0 [sflag:s8], $0x0  }
0x24: {  	s3 =	sadd.s32 $0x88, s3;
	s6 =	simm.s32 @!p1 $0x1082;
	[sflag:s4] =	ssyncset.s32 $0xFFFFF086  }
0x25: {  	[simem:s6], [sflag:s4] =	dma.local [hbm:s3], $0xF7A  }
0x26: {  	[smem:$0x3F9F] =	sst s1;
	(tag) =	ssettag s2;
	_ =	strace s9  }
0x27: {  	s1 =	sld [smem:$0x3FAF]  }
0x28: {  	s2 =	sld [smem:$0x3FB0]  }
0x29: {  	s4 =	sld [smem:$0x3FB2]  }
0x2a: {  	p0 =	seq.s32 s5, $0x0;
	s5 =	sld [smem:$0x3FB3]  }
0x2b: {  	s6 =	sld [smem:$0x3FB4]  }
0x2c: {  	s7 =	sld [smem:$0x3FB5]  }
0x2d: {  	s3 =	simm.s32 $0x108;
	s8 =	sld [smem:$0x3FB6]  }
0x2e: {  	s3 =	simm.s32 @!p0 $0x1082;
	s9 =	sld [smem:$0x3FB7]  }
0x2f: {  	lr =	sadd.s32 s0, s3;
	s0 =	sld [smem:$0x3FAE]  }
0x30: {  	s3 =	sld [smem:$0x3FB1]  }
0x31: {  	[smem:$0x3FBA] =	sst s10  }
0x32: {  	s10 =	sld [smem:$0x3FB8];
	_ =	sdelay $0x3  }
0x33: {  	p0 =	seq.s32 s10, $0x1;
	s10 =	sld [smem:$0x3FBA];
	_ =	sdelay $0x3  }
0x34: {  	[smem:$0x3FBA] =	sst s10  }
0x35: {  	s10 =	sld [smem:$0x3FB9];
	_ =	sdelay $0x3  }
0x36: {  	p1 =	seq.s32 s10, $0x1;
	s10 =	sld [smem:$0x3FBA];
	_ =	sdelay $0x3  }
0x37: {  	[smem:$0x3FBA] =	sst s10  }
0x38: {  	s10 =	sld [smem:$0x3FBB]  }
0x39: {  	_ = 	snop;
	(pc) =	sbr.ind lr, $3  }
0x3a: {  	_ = 	snop  }
0x3b: {  	_ = 	snop  }
0x3c: {  	p2 =	seq.s32 s10, $0x1;
	s10 =	sld [smem:$0x3FBA]  }
0x3d: {  	_ =	shalt  }
0x3e: {  	_ =	shalt  }
0x3f: {  	_ =	shalt  }
0x40: {  	_ =	shalt  }
0x41: {  	_ =	shalt  }
0x42: {  	_ =	shalt  }
0x43: {  	_ =	shalt  }
0x44: {  	_ =	shalt  }
0x45: {  	_ =	shalt  }
0x46: {  	_ =	shalt  }
0x47: {  	_ =	shalt  }
0x48: {  	_ =	shalt  }
0x49: {  	_ =	shalt  }
0x4a: {  	_ =	shalt  }
0x4b: {  	_ =	shalt  }
0x4c: {  	_ =	shalt  }
0x4d: {  	_ =	shalt  }
0x4e: {  	_ =	shalt  }
0x4f: {  	_ =	shalt  }
0x50: {  	_ =	shalt  }
0x51: {  	_ =	shalt  }
0x52: {  	_ =	shalt  }
0x53: {  	_ =	shalt  }
0x54: {  	_ =	shalt  }
0x55: {  	_ =	shalt  }
0x56: {  	_ =	shalt  }
0x57: {  	_ =	shalt  }
0x58: {  	_ =	shalt  }
0x59: {  	_ =	shalt  }
0x5a: {  	_ =	shalt  }
0x5b: {  	_ =	shalt  }
0x5c: {  	_ =	shalt  }
0x5d: {  	_ =	shalt  }
0x5e: {  	_ =	shalt  }
0x5f: {  	_ =	shalt  }
0x60: {  	_ =	shalt  }
0x61: {  	_ =	shalt  }
0x62: {  	_ =	shalt  }
0x63: {  	_ =	shalt  }
0x64: {  	_ =	shalt  }
0x65: {  	_ =	shalt  }
0x66: {  	_ =	shalt  }
0x67: {  	_ =	shalt  }
0x68: {  	_ =	shalt  }
0x69: {  	_ =	shalt  }
0x6a: {  	_ =	shalt  }
0x6b: {  	_ =	shalt  }
0x6c: {  	_ =	shalt  }
0x6d: {  	_ =	shalt  }
0x6e: {  	_ =	shalt  }
0x6f: {  	_ =	shalt  }
0x70: {  	_ =	shalt  }
0x71: {  	_ =	shalt  }
0x72: {  	_ =	shalt  }
0x73: {  	_ =	shalt  }
0x74: {  	_ =	shalt  }
0x75: {  	_ =	shalt  }
0x76: {  	_ =	shalt  }
0x77: {  	_ =	shalt  }
0x78: {  	_ =	shalt  }
0x79: {  	_ =	shalt  }
0x7a: {  	_ =	shalt  }
0x7b: {  	_ =	shalt  }
0x7c: {  	_ =	shalt  }
0x7d: {  	_ =	shalt  }
0x7e: {  	_ =	shalt  }
0x7f: {  	_ =	shalt  }
0x80: {  	_ =	shalt  }
0x81: {  	_ =	shalt  }
0x82: {  	_ =	shalt  }
0x83: {  	_ =	shalt  }
0x84: {  	_ =	shalt  }
0x85: {  	_ =	shalt  }
0x86: {  	_ =	shalt  }
0x87: {  	_ =	shalt  }
.Lfunc_end0:
.L_simem_size_0:
called_computation_lowered:
.L_overlay_start_0:
0x88: {  	s0 =	sld [smem:$0x3FD9]  }
0x89: {  	s1 =	sld [smem:$0x3FFE];
	_ =	sdelay $0x3  }
0x8a: {  	s0 =	sadd.s32 s1, s0  }
0x8b: {  	[smem:$0x3FC6] =	sst s0  }
0x8c: {  	_ = 	snop  }
0x8d: {  	s0 =	sld [smem:$0x3FC9]  }
0x8e: {  	s17 =	sld [smem:$0x3FC8]  }
0x8f: {  	s2 =	sld [smem:$0x3FD0];
	(tm) =	ssettm $0x1  }
0x90: {  	s3 =	sld [smem:$0x3FFB];
	_ =	sdelay $0x3  }
0x91: {  	_ =	strace s3  }
0x92: {  	s3 =	sld [smem:$0x3FFC];
	_ =	sdelay $0x3  }
0x93: {  	_ =	strace s3  }
0x94: {  	s3 =	sld [smem:$0x3FFD];
	_ =	sdelay $0x3  }
0x95: {  	_ =	strace s3  }
0x96: {  	_ =	strace $0x8FFFFFFF  }
0x97: {  	s18 =	sld [smem:$0x3FDB];
	_ =	sdelay $0x1  }
0x98: {  	s4 =	simm.s32 $_scs_section_size  }
0x99: {  	s5 =	simm.s32 $_size__tile_overlayer_lowered;
	s6 =	simm.s32 $_tile_overlayer_lowered  }
0x9a: {  	s21 =	simm.s32 $0x1BFF;
	s20 =	sshll.u32 s6, $0x1;
	s3 =	sadd.s32 s4, s18  }
0x9b: {  	s7 =	simm.s32 $0x0;
	s19 =	sshll.u32 s5, $0x1;
	s5 =	sadd.s32 s20, s3  }
0x9c: {  	[timem:s7], [sflag:s21] =	dma.local [hbm:s5], s19  }
0x9d: {  	_ =	swait.ge [sflag:s21], s19  }
0x9e: {  	s4 =	ssub.s32 $0x0, s19;
	[sflag:s21] =	ssyncset.done $0x0  }
0x9f: {  	[sflag:s21] =	ssyncadd.s32 s4;
	_ =	sdelay $0x1  }
0xa0: {  	s22 =	simm.s32 $0x1B8B  }
0xa1: {  	_ =	swait.ge [sflag:s22], $0x1  }
0xa2: {  	[sflag:s22] =	ssyncset.done $0x0  }
0xa3: {  	s23 =	simm.s32 $0x1B8E;
	[sflag:s22] =	ssyncadd.s32 $0xFFFFFFFF  }
0xa4: {  	s24 =	simm.s32 $execute0_lowered;
	[smem:$0x3FD2] =	sst s23  }
0xa5: {  	s4 =	sshll.u32 s24, $0x1;
	_ =	strace $0x80000046;
	[dreg:$0x1] =	wrdreg $0xFFFFFFFF  }
0xa6: {  	s25 =	simm.s32 $_size_execute0_lowered;
	s3 =	sadd.s32 s3, s4;
	[dreg:$0x0] =	wrdreg $0x0  }
0xa7: {  	s4 =	sshll.u32 s25, $0x1;
	[dreg:$0x2] =	wrdreg s3  }
0xa8: {  	[dreg:$0x3] =	wrdreg s4  }
0xa9: {  	[dreg:$0x4] =	wrdreg $0xC0  }
0xaa: {  	_ =	task [dreg:s7], $0x5FFFF  }
0xab: {  	[dreg:$0x1] =	wrdreg $0xFFFFFFFF  }
0xac: {  	[dreg:$0x0] =	wrdreg $0x60  }
0xad: {  	[dreg:$0x2] =	wrdreg s0  }
0xae: {  	[dreg:$0x3] =	wrdreg s17  }
0xaf: {  	[dreg:$0x4] =	wrdreg s2  }
0xb0: {  	[dreg:$0x5] =	wrdreg $0x144000  }
0xb1: {  	[dreg:$0x6] =	wrdreg $0x144300  }
0xb2: {  	[dreg:$0x7] =	wrdreg $0x9  }
0xb3: {  	_ =	task.clear_ibuf [dreg:s7], $0x8FFFF;
	_ =	strace $0x90000046  }
0xb4: {  	s26 =	simm.s32 $0x9;
	_ =	strace $0x80000048  }
0xb5: {  	_ =	swait.ge [sflag:s26], $0x1  }
0xb6: {  	[sflag:s26] =	ssyncadd.s32 $0xFFFFFFFF  }
0xb7: {  	_ =	strace $0x90000048  }
0xb8: {  	_ =	sfence  }
0xb9: {  	s28 =	sld [smem:$0x0];
	_ =	sdelay $0x1  }
0xba: {  	s29 =	srdreg.scid  }
0xbb: {  	s30 =	sshll.u32 s29, $0xD;
	s31 =	sshrl.u32 s29, $0x2  }
0xbc: {  	s1 =	sand.u32 $0x1, s29;
	s2 =	sand.u32 $0x4000, s30;
	s0 =	sadd.s32 s31, s28  }
0xbd: {  	s1 =	sor.u32 s2, s1;
	s0 =	sshll.u32 s0, $0x11  }
0xbe: {  	s0 =	sor.u32 s0, s1  }
0xbf: {  	s0 =	sadd.s32 $0x8F2B, s0  }
0xc0: {  	[sflag:s0] =	ssyncadd.remote.s32 $0x1  }
0xc1: {  	_ =	sfence.sel $0xFFFF  }
0xc2: {  	[dreg:$0x0] =	wrdreg $0xFFFFFFFF;
	(pc) =	sbr.abs _section_cstart, $3  }
0xc3: {  	[dreg:$0x1] =	wrdreg $0xFFFFFFFF  }
0xc4: {  	_ =	task.clear_ibuf [dreg:s7], $0x2FFFF;
	_ =	strace $0x9FFFFFFF  }
0xc5: {  	(tm) =	ssettm $0x7FFFFFFF  }
tec
execute0_lowered:
.L_overlay_start_1:
0x0: {  	(tag) =	ssettag $0x1  }
0x1: {  	s5 =	rddreg [dreg:$0x0]  }
0x2: {  	s6 =	rddreg [dreg:$0x1]  }
0x3: {  	s1 =	rddreg [dreg:$0x2]  }
0x4: {  	s4 =	rddreg [dreg:$0x3]  }
0x5: {  	s3 =	rddreg [dreg:$0x4];
	s7 =	simm.s32 $0x0;
	s2 =	stileid.u32  }
0x6: {  	[smem:$0x7FF] =	sst s7;
	s8 =	sshll.u32 s2, $0x9  }
0x7: {  	s0 =	rddreg [dreg:$0x5];
	_ =	strace $0x80000047;
	s5 =	sadd.s32 s5, s8  }
0x8: {  	[tilespmem:s7], [sflag:$0x1] =	stream.linear.gather [hbm4b:s5+s7], $0x1000, $0x38;
	[tilespmem:$0x15430] =	vst v63  }
0x9: {  	s30 =	simm.s32 $0x1000;
	s31 =	simm.s32 $0x1;
	s29 =	sadd.s32 s6, s8  }
0xa: {  	[tilespmem:s30], [sflag:$0x1] =	stream.linear.gather [hbm4b:s29+s7], $0x1000, $0x38;
	[tilespmem:$0x15430] =	vst v63  }
0xb: {  	_ =	swait.ge [sflag:s31], $0x1000  }
0xc: {  	[sflag:s31] =	ssyncset.done $0x0  }
0xd: {  	[sflag:s31] =	ssyncadd.s32 $0xFFFFF000  }
0xe: {  	_ =	swait.ge [sflag:s31], $0x1000  }
0xf: {  	[sflag:s31] =	ssyncset.done $0x0  }
0x10: {  	s5 =	simm.s32 $0x0;
	[sflag:s31] =	ssyncadd.s32 $0xFFFFF000  }
0x11: {  	v5 =	vld [tilespmem:s5+$0x30]  }
0x12: {  	v12 =	vld [tilespmem:s5+$0x20]  }
0x13: {  	v6 =	vld [tilespmem:s5+$0x10];
	_ =	sdelay $0x2  }
0x14: {  	v0 =	vand.u32 $0x7FFFFFFF, v5  }
0x15: {  	v1 =	vand.u32 $0x7FFFFFFF, v12;
	v0 =	vsub.f32 $0.0e+00, v0  }
0x16: {  	v2 =	vand.u32 $0x7FFFFFFF, v6;
	v1 =	vsub.f32 $0.0e+00, v1  }
0x17: {  	v2 =	vsub.f32 $0.0e+00, v2;
	v0 =	vmul.f32 $1.442695020e+00, v0  }
0x18: {  	v1 =	vmul.f32 $1.442695020e+00, v1  }
0x19: {  	v19 =	vld [tilespmem:s5+$0x0];
	v2 =	vmul.f32 $1.442695020e+00, v2;
	(erf) = vpow2.f32 v0  }
0x1a: {  	(erf) = vpow2.f32 v1  }
0x1b: {  	(erf) = vpow2.f32 v2;
	_ =	sdelay $0x2  }
0x1c: {  	v0 =	vand.u32 $0x7FFFFFFF, v19  }
0x1d: {  	v0 =	vsub.f32 $0.0e+00, v0;
	_ =	sdelay $0x1  }
0x1e: {  	v0 =	vmul.f32 $1.442695020e+00, v0  }
0x1f: {  	v7 =	vpop (erf)  }
0x20: {  	(erf) = vpow2.f32 v0;
	v21 =	vpop (erf)  }
0x21: {  	v0 =	vmul.f32 $1.011875640e-02, v7;
	v8 =	vpop (erf)  }
0x22: {  	v1 =	vmul.f32 $1.011875640e-02, v8  }
0x23: {  	v2 =	vmul.f32 $1.011875640e-02, v21;
	v0 =	vadd.f32 $-5.262341350e-02, v0  }
0x24: {  	v1 =	vadd.f32 $-5.262341350e-02, v1  }
0x25: {  	v2 =	vadd.f32 $-5.262341350e-02, v2;
	v0 =	vmul.f32 v0, v7  }
0x26: {  	v1 =	vmul.f32 v1, v8  }
0x27: {  	v4 =	vld [tilespmem:s5+$0x1010];
	v2 =	vmul.f32 v2, v21;
	v0 =	vadd.f32 $1.307625470e-01, v0  }
0x28: {  	v3 =	vld [tilespmem:s5+$0x1030];
	v1 =	vadd.f32 $1.307625470e-01, v1  }
0x29: {  	v22 =	vpop (erf);
	v2 =	vadd.f32 $1.307625470e-01, v2;
	v0 =	vmul.f32 v0, v7  }
0x2a: {  	v10 =	vmul.f32 $1.011875640e-02, v22;
	v1 =	vmul.f32 v1, v8  }
0x2b: {  	v9 =	vld [tilespmem:s5+$0x1000];
	v2 =	vmul.f32 v2, v21;
	v11 =	vadd.f32 $-2.228340950e-01, v0  }
0x2c: {  	v13 =	vld [tilespmem:s5+$0x1020];
	v14 =	vmul.f32 v4, v6;
	v10 =	vadd.f32 $-5.262341350e-02, v10;
	v1 =	vadd.f32 $-2.228340950e-01, v1  }
0x2d: {  	v15 =	vmul.f32 v3, v5;
	v2 =	vadd.f32 $-2.228340950e-01, v2;
	v11 =	vmul.f32 v11, v7  }
0x2e: {  	s6 =	simm.s32 $0x40;
	v3 =	vmul.f32 v10, v22;
	v1 =	vmul.f32 v1, v8  }
0x2f: {  	vm0 =	vge.f32 v12, $0.0e+00;
	v10 =	vmul.f32 v2, v21;
	v2 =	vld [tilespmem:s6+$0x30];
	v4 =	vadd.f32 $3.269720970e-01, v11  }
0x30: {  	v23 =	vmul.f32 v9, v19;
	v9 =	vadd.f32 $1.307625470e-01, v3;
	v1 =	vadd.f32 $3.269720970e-01, v1  }
0x31: {  	v24 =	vmul.f32 v13, v12;
	vm2 =	vge.f32 v6, $0.0e+00;
	v11 =	vmul.f32 v4, v7  }
0x32: {  	vm3 =	vge.f32 v5, $0.0e+00;
	v3 =	vld [tilespmem:s6+$0x20];
	v18 =	vmul.f32 v9, v22;
	v1 =	vmul.f32 v1, v8  }
0x33: {  	v26 =	vadd.f32 $3.269720970e-01, v10;
	v4 =	vld [tilespmem:s6+$0x10];
	v9 =	vadd.f32 $-4.992063340e-01, v11;
	v11 =	vmax.f32 v5, $0.0e+00  }
0x34: {  	v11 =	vsub.f32 v11, v15;
	v15 =	vand.u32 $0x7FFFFFFF, v2;
	v16 =	vadd.f32 $-4.992063340e-01, v1  }
0x35: {  	v12 =	vmax.f32 v12, $0.0e+00;
	v26 =	vmul.f32 v26, v21;
	v1 =	vld [tilespmem:s6+$0x0];
	v15 =	vsub.f32 $0.0e+00, v15  }
0x36: {  	v9 =	vmul.f32 v9, v7;
	v10 =	vmul.f32 v16, v8;
	v16 =	vmax.f32 v6, $0.0e+00  }
0x37: {  	v15 =	vmul.f32 $1.442695020e+00, v15;
	v14 =	vsub.f32 v16, v14;
	v16 =	vand.u32 $0x7FFFFFFF, v3  }
0x38: {  	v20 =	vand.u32 $0x7FFFFFFF, v4;
	v10 =	vadd.f32 $9.999574420e-01, v10;
	v16 =	vsub.f32 $0.0e+00, v16  }
0x39: {  	v9 =	vadd.f32 $9.999574420e-01, v9;
	v20 =	vsub.f32 $0.0e+00, v20;
	(erf) = vpow2.f32 v15  }
0x3a: {  	v17 =	vld [tilespmem:s6+$0x1010];
	v8 =	vmul.f32 v10, v8;
	v10 =	vand.u32 $0x7FFFFFFF, v1;
	v16 =	vmul.f32 $1.442695020e+00, v16  }
0x3b: {  	v27 =	vld [tilespmem:s6+$0x1030];
	v7 =	vmul.f32 v9, v7;
	v9 =	vsub.f32 $0.0e+00, v10;
	v10 =	vmul.f32 $1.442695020e+00, v20  }
0x3c: {  	v30 =	vmax.f32 v19, $0.0e+00;
	v26 =	vadd.f32 $-4.992063340e-01, v26;
	(erf) = vpow2.f32 v16  }
0x3d: {  	v24 =	vsub.f32 v12, v24;
	v0 =	vimm.f32 $0.0e+00;
	v20 =	vld [tilespmem:s6+$0x1020];
	(erf) = vpow2.f32 v10  }
0x3e: {  	v13 =	vsel vm0, $0x3F800000, v0;
	v26 =	vmul.f32 v26, v21;
	v8 =	vadd.f32 $5.631131900e-07, v8  }
0x3f: {  	v15 =	vmul.f32 v17, v4;
	v7 =	vadd.f32 $5.631131900e-07, v7;
	v10 =	vmul.f32 $1.442695020e+00, v9  }
0x40: {  	v28 =	vld [tilespmem:s6+$0x1000];
	v17 =	vmul.f32 v27, v2;
	v25 =	vadd.f32 v8, v14;
	v8 =	vadd.f32 $-2.228340950e-01, v18  }
0x41: {  	v33 =	vadd.f32 v7, v11;
	v9 =	vadd.f32 v13, v0;
	(erf) = vpow2.f32 v10  }
0x42: {  	v13 =	vsel vm2, $0x3F800000, v0;
	v7 =	vmul.f32 v20, v3;
	v20 =	vmul.f32 v8, v22  }
0x43: {  	v14 =	vsel vm3, $0x0, v33;
	v5 =	vsel vm2, $0x0, v25;
	v8 =	vadd.f32 v13, v0;
	v18 =	vpop (erf)  }
0x44: {  	v10 =	vadd.f32 v5, v0;
	v5 =	vnsel vm3, $0x0, v33;
	v27 =	vmul.f32 $1.011875640e-02, v18  }
0x45: {  	v6 =	vmul.f32 v28, v1;
	v11 =	vadd.f32 v5, v0;
	v5 =	vadd.f32 v14, v0;
	v13 =	vpop (erf)  }
0x46: {  	v14 =	vsel vm3, $0x3F800000, v0;
	v28 =	vadd.f32 $3.269720970e-01, v20;
	v27 =	vadd.f32 $-5.262341350e-02, v27;
	v20 =	vpop (erf)  }
0x47: {  	v12 =	vadd.f32 v14, v0;
	v29 =	vmul.f32 $1.011875640e-02, v13;
	v14 =	vmul.f32 $1.011875640e-02, v20  }
0x48: {  	v23 =	vsub.f32 v30, v23;
	v26 =	vadd.f32 $9.999574420e-01, v26;
	v27 =	vmul.f32 v27, v18  }
0x49: {  	v28 =	vmul.f32 v28, v22;
	v29 =	vadd.f32 $-5.262341350e-02, v29;
	v31 =	vadd.f32 $-5.262341350e-02, v14  }
0x4a: {  	vm0 =	vmmov vm0;
	v21 =	vmul.f32 v26, v21;
	v27 =	vadd.f32 $1.307625470e-01, v27  }
0x4b: {  	v28 =	vadd.f32 $-4.992063340e-01, v28;
	v29 =	vmul.f32 v29, v13;
	v14 =	vpop (erf);
	v31 =	vmul.f32 v31, v20  }
0x4c: {  	v21 =	vadd.f32 $5.631131900e-07, v21;
	v27 =	vmul.f32 v27, v18;
	v30 =	vmul.f32 $1.011875640e-02, v14  }
0x4d: {  	v28 =	vmul.f32 v28, v22;
	v29 =	vadd.f32 $1.307625470e-01, v29;
	v31 =	vadd.f32 $1.307625470e-01, v31  }
0x4e: {  	vm1 =	vge.f32 v3, $0.0e+00;
	v27 =	vadd.f32 $-2.228340950e-01, v27;
	v30 =	vadd.f32 $-5.262341350e-02, v30  }
0x4f: {  	v28 =	vadd.f32 $9.999574420e-01, v28;
	v29 =	vmul.f32 v29, v13;
	v31 =	vmul.f32 v31, v20  }
0x50: {  	v16 =	vsel vm1, $0x3F800000, v0;
	v27 =	vmul.f32 v27, v18;
	v30 =	vmul.f32 v30, v14  }
0x51: {  	v22 =	vmul.f32 v28, v22;
	v32 =	vadd.f32 $-2.228340950e-01, v29;
	v28 =	vadd.f32 $-2.228340950e-01, v31  }
0x52: {  	vm3 =	vge.f32 v19, $0.0e+00;
	v31 =	vadd.f32 $3.269720970e-01, v27;
	v30 =	vadd.f32 $1.307625470e-01, v30  }
0x53: {  	v22 =	vadd.f32 $5.631131900e-07, v22;
	v26 =	vmul.f32 v32, v13;
	v28 =	vmul.f32 v28, v20  }
0x54: {  	v19 =	vimm.f32 $0.0e+00;
	v31 =	vmul.f32 v31, v18;
	v29 =	vmul.f32 v30, v14  }
0x55: {  	v27 =	vadd.f32 $3.269720970e-01, v26;
	v30 =	vadd.f32 v22, v23;
	v26 =	vimm.f32 $0.0e+00  }
0x56: {  	[tilespmem:s5+$0x2030] =	vst v33;
	v23 =	vimm.f32 $0.0e+00;
	v22 =	vimm.f32 $0.0e+00;
	v32 =	vadd.f32 $3.269720970e-01, v28  }
0x57: {  	s7 =	simm.s32 $0x200;
	[tilespmem:s5+$0x2010] =	vst v25;
	v28 =	vadd.f32 v21, v24;
	v24 =	vimm.f32 $0.0e+00;
	v21 =	vimm.f32 $0.0e+00  }
.LBB2_1:
0x58: {  	s8 =	sshra.s32 s7, $0x2;
	p0 =	sne.s32 s7, $0x3F00;
	s7 =	sadd.s32 $0x100, s7;
	v33 =	vsel vm3, $0x3F800000, v0;
	v34 =	vsel vm3, $0x0, v30;
	v25 =	vnsel vm2, $0x0, v25  }
0x59: {  	v36 =	vnsel vm3, $0x0, v30;
	v35 =	vld [tilespmem:s8+$0x1030];
	v32 =	vmul.f32 v32, v20;
	v26 =	vadd.f32 v25, v26;
	[tilespmem:s5+$0x2020] =	vst v28  }
0x5a: {  	v24 =	vadd.f32 v33, v24;
	v23 =	vadd.f32 v36, v23;
	v25 =	vsel vm0, $0x0, v28;
	v37 =	vld [tilespmem:s8+$0x30];
	[tilespmem:s5+$0x2000] =	vst v30;
	s5 =	smov.u32 s6;
	s6 =	smov.u32 s8  }
0x5b: {  	v22 =	vadd.f32 v34, v22;
	v33 =	vnsel vm0, $0x0, v28;
	v30 =	vld [tilespmem:s6+$0x20];
	v32 =	vadd.f32 $-4.992063340e-01, v32  }
0x5c: {  	v31 =	vadd.f32 $-4.992063340e-01, v31;
	vm0 =	vmmov vm1;
	v21 =	vadd.f32 v25, v21;
	v34 =	vld [tilespmem:s6+$0x10]  }
0x5d: {  	v19 =	vadd.f32 v33, v19;
	v28 =	vld [tilespmem:s6+$0x0];
	v25 =	vmul.f32 v32, v20;
	v32 =	vmax.f32 v2, $0.0e+00  }
0x5e: {  	v33 =	vmax.f32 v4, $0.0e+00;
	v32 =	vsub.f32 v32, v17;
	v17 =	vmul.f32 v31, v18  }
0x5f: {  	v33 =	vsub.f32 v33, v15;
	v31 =	vand.u32 $0x7FFFFFFF, v37;
	v15 =	vadd.f32 $9.999574420e-01, v25  }
0x60: {  	v25 =	vand.u32 $0x7FFFFFFF, v30;
	v31 =	vsub.f32 $0.0e+00, v31;
	v17 =	vadd.f32 $9.999574420e-01, v17  }
0x61: {  	v36 =	vld [tilespmem:s6+$0x1010];
	v38 =	vand.u32 $0x7FFFFFFF, v34;
	v25 =	vsub.f32 $0.0e+00, v25;
	v15 =	vmul.f32 v15, v20  }
0x62: {  	v20 =	vand.u32 $0x7FFFFFFF, v28;
	v38 =	vsub.f32 $0.0e+00, v38;
	v31 =	vmul.f32 $1.442695020e+00, v31  }
0x63: {  	vm1 =	vge.f32 v30, $0.0e+00;
	v17 =	vmul.f32 v17, v18;
	v25 =	vmul.f32 $1.442695020e+00, v25  }
0x64: {  	v20 =	vsub.f32 $0.0e+00, v20;
	v18 =	vld [tilespmem:s6+$0x1000];
	v38 =	vmul.f32 $1.442695020e+00, v38;
	(erf) = vpow2.f32 v31  }
0x65: {  	v39 =	vadd.f32 $5.631131900e-07, v17;
	v31 =	vld [tilespmem:s6+$0x1020];
	(erf) = vpow2.f32 v25;
	v25 =	vadd.f32 $5.631131900e-07, v15  }
0x66: {  	vm2 =	vge.f32 v4, $0.0e+00;
	v4 =	vmovc v34;
	v15 =	vmul.f32 v36, v34;
	(erf) = vpow2.f32 v38  }
0x67: {  	v9 =	vadd.f32 v16, v9;
	v20 =	vmul.f32 $1.442695020e+00, v20;
	v25 =	vadd.f32 v25, v33  }
0x68: {  	vm3 =	vge.f32 v2, $0.0e+00;
	v2 =	vmovc v37;
	v17 =	vmul.f32 v35, v37;
	v16 =	vadd.f32 v39, v32  }
0x69: {  	v32 =	vmul.f32 v18, v28;
	(erf) = vpow2.f32 v20;
	[tilespmem:s5+$0x2010] =	vst v25;
	v18 =	vsel vm2, $0x0, v25  }
0x6a: {  	v20 =	vadd.f32 $-2.228340950e-01, v29;
	v31 =	vmul.f32 v31, v30;
	v10 =	vadd.f32 v18, v10;
	[tilespmem:s5+$0x2030] =	vst v16  }
0x6b: {  	v33 =	vnsel vm3, $0x0, v16;
	v29 =	vsel vm2, $0x3F800000, v0;
	v16 =	vsel vm3, $0x0, v16  }
0x6c: {  	v11 =	vadd.f32 v33, v11;
	v37 =	vmul.f32 v20, v14;
	v5 =	vadd.f32 v16, v5  }
0x6d: {  	v8 =	vadd.f32 v29, v8;
	v29 =	vsel vm3, $0x3F800000, v0;
	v16 =	vsel vm1, $0x3F800000, v0;
	v18 =	vpop (erf)  }
0x6e: {  	v38 =	vmax.f32 v3, $0.0e+00;
	v35 =	vadd.f32 $3.269720970e-01, v37;
	v33 =	vmul.f32 $1.011875640e-02, v18;
	v34 =	vpop (erf)  }
0x6f: {  	v12 =	vadd.f32 v29, v12;
	v37 =	vsub.f32 v38, v7;
	v39 =	vmul.f32 $1.011875640e-02, v34;
	v20 =	vpop (erf)  }
0x70: {  	v3 =	vmovc v30;
	v7 =	vmovc v31;
	v35 =	vmul.f32 v35, v14;
	v29 =	vmul.f32 $1.011875640e-02, v20;
	v33 =	vadd.f32 $-5.262341350e-02, v33  }
0x71: {  	v27 =	vmul.f32 v27, v13;
	v31 =	vmax.f32 v1, $0.0e+00;
	v30 =	vadd.f32 $-5.262341350e-02, v39  }
0x72: {  	v35 =	vadd.f32 $-4.992063340e-01, v35;
	v29 =	vadd.f32 $-5.262341350e-02, v29;
	v33 =	vmul.f32 v33, v18;
	v36 =	vpop (erf)  }
0x73: {  	v27 =	vadd.f32 $-4.992063340e-01, v27;
	v38 =	vmul.f32 $1.011875640e-02, v36;
	v30 =	vmul.f32 v30, v34  }
0x74: {  	v31 =	vsub.f32 v31, v6;
	v6 =	vmovc v32;
	v29 =	vmul.f32 v29, v20;
	v33 =	vadd.f32 $1.307625470e-01, v33  }
0x75: {  	v35 =	vmul.f32 v35, v14;
	v32 =	vadd.f32 $-5.262341350e-02, v38;
	v30 =	vadd.f32 $1.307625470e-01, v30  }
0x76: {  	v27 =	vmul.f32 v27, v13;
	v29 =	vadd.f32 $1.307625470e-01, v29;
	v33 =	vmul.f32 v33, v18  }
0x77: {  	v35 =	vadd.f32 $9.999574420e-01, v35;
	v32 =	vmul.f32 v32, v36;
	v30 =	vmul.f32 v30, v34  }
0x78: {  	v27 =	vadd.f32 $9.999574420e-01, v27;
	v29 =	vmul.f32 v29, v20;
	v33 =	vadd.f32 $-2.228340950e-01, v33  }
0x79: {  	v35 =	vmul.f32 v35, v14;
	v14 =	vmovc v36;
	v32 =	vadd.f32 $1.307625470e-01, v32;
	v30 =	vadd.f32 $-2.228340950e-01, v30  }
.Ltmp0:
0x7a: {  	v27 =	vmul.f32 v27, v13;
	v13 =	vmovc v34;
	v36 =	vadd.f32 $-2.228340950e-01, v29;
	v33 =	vmul.f32 v33, v18;
	(pc) =	sbr.rel @p0 .LBB2_1-.Ltmp0, $4  }
0x7b: {  	v29 =	vmul.f32 v32, v14;
	v30 =	vmul.f32 v30, v13;
	v32 =	vadd.f32 $5.631131900e-07, v35  }
0x7c: {  	v35 =	vadd.f32 $5.631131900e-07, v27;
	v34 =	vmul.f32 v36, v20;
	v33 =	vadd.f32 $3.269720970e-01, v33  }
0x7d: {  	vm3 =	vge.f32 v1, $0.0e+00;
	v1 =	vmovc v28;
	v27 =	vadd.f32 $3.269720970e-01, v30;
	v30 =	vadd.f32 v32, v31  }
0x7e: {  	v28 =	vadd.f32 v35, v37;
	v32 =	vadd.f32 $3.269720970e-01, v34;
	v31 =	vmul.f32 v33, v18  }
0x7f: {  	v33 =	vsel vm3, $0x3F800000, v0;
	v25 =	vnsel vm2, $0x0, v25;
	v34 =	vsel vm3, $0x0, v30  }
0x80: {  	v52 =	vadd.f32 $-2.228340950e-01, v29;
	v53 =	vnsel vm3, $0x0, v30;
	v58 =	vmax.f32 v4, $0.0e+00  }
0x81: {  	v27 =	vmul.f32 v27, v13;
	v61 =	vmax.f32 v2, $0.0e+00;
	v9 =	vadd.f32 v16, v9  }
0x82: {  	vm13 =	vge.f32 v4, $0.0e+00;
	vm14 =	vge.f32 v2, $0.0e+00;
	v32 =	vmul.f32 v32, v20  }
0x83: {  	v3 =	vmax.f32 v3, $0.0e+00;
	vm15 =	vge.f32 v1, $0.0e+00;
	v25 =	vadd.f32 v25, v26  }
0x84: {  	v24 =	vadd.f32 v33, v24;
	v26 =	vmul.f32 v52, v14;
	v32 =	vadd.f32 $-4.992063340e-01, v32  }
0x85: {  	v23 =	vadd.f32 v53, v23;
	v54 =	vadd.f32 $-4.992063340e-01, v31;
	v55 =	vsel vm0, $0x0, v28  }
0x86: {  	v22 =	vadd.f32 v34, v22;
	v26 =	vadd.f32 $3.269720970e-01, v26;
	v32 =	vmul.f32 v32, v20  }
0x87: {  	v56 =	vnsel vm0, $0x0, v28;
	v15 =	vsub.f32 v58, v15;
	v17 =	vsub.f32 v61, v17  }
0x88: {  	v33 =	vsel vm13, $0x3F800000, v0;
	v26 =	vmul.f32 v26, v14;
	v57 =	vadd.f32 $9.999574420e-01, v32  }
0x89: {  	v3 =	vsub.f32 v3, v7;
	v35 =	vsel vm14, $0x3F800000, v0;
	v0 =	vsel vm15, $0x3F800000, v0  }
0x8a: {  	v21 =	vadd.f32 v55, v21;
	v26 =	vadd.f32 $-4.992063340e-01, v26;
	v59 =	vmul.f32 v57, v20  }
0x8b: {  	v19 =	vadd.f32 v56, v19;
	v27 =	vadd.f32 $-4.992063340e-01, v27;
	v29 =	vmul.f32 v54, v18  }
0x8c: {  	v8 =	vadd.f32 v33, v8;
	v26 =	vmul.f32 v26, v14;
	v20 =	vadd.f32 $5.631131900e-07, v59  }
0x8d: {  	v0 =	vadd.f32 v0, v24;
	v62 =	vmul.f32 v27, v13;
	v29 =	vadd.f32 $9.999574420e-01, v29  }
0x8e: {  	v15 =	vadd.f32 v20, v15;
	v20 =	vadd.f32 $9.999574420e-01, v26  }
0x8f: {  	v0 =	vadd.f32 v8, v0;
	v16 =	vadd.f32 $9.999574420e-01, v62  }
0x90: {  	v36 =	vadd.f32 v35, v12;
	v60 =	vmul.f32 v29, v18;
	v27 =	vmul.f32 v20, v14  }
0x91: {  	v29 =	vmax.f32 v1, $0.0e+00;
	v0 =	vadd.f32 v9, v0;
	v31 =	vmul.f32 v16, v13  }
0x92: {  	v6 =	vsub.f32 v29, v6;
	v32 =	vadd.f32 $5.631131900e-07, v27  }
0x93: {  	v18 =	vadd.f32 $5.631131900e-07, v60;
	v34 =	vadd.f32 $5.631131900e-07, v31  }
0x94: {  	v0 =	vadd.f32 v36, v0;
	v6 =	vadd.f32 v32, v6  }
0x95: {  	vm12 =	vmmov vm1;
	v63 =	vadd.f32 v18, v17;
	v1 =	vadd.f32 v34, v3  }
0x96: {  	v2 =	vsel vm13, $0x0, v15;
	v37 =	vnsel vm13, $0x0, v15;
	v3 =	vsel vm15, $0x0, v6  }
0x97: {  	v2 =	vadd.f32 v2, v10;
	v38 =	vnsel vm15, $0x0, v6;
	v3 =	vadd.f32 v3, v22  }
0x98: {  	[tilespmem:s5+$0x2000] =	vst v30;
	v39 =	vsel vm12, $0x0, v1;
	v7 =	vadd.f32 v37, v25;
	v12 =	vadd.f32 v38, v23  }
0x99: {  	[tilespmem:s5+$0x2020] =	vst v28;
	v40 =	vnsel vm12, $0x0, v1;
	v13 =	vadd.f32 v39, v21;
	v2 =	vadd.f32 v2, v3  }
0x9a: {  	[tilespmem:s6+$0x2030] =	vst v63;
	v41 =	vadd.f32 v40, v19;
	v3 =	vsel vm14, $0x0, v63;
	v7 =	vadd.f32 v7, v12  }
0x9b: {  	v26 =	vnsel vm14, $0x0, v63;
	[tilespmem:s6+$0x2020] =	vst v1;
	v3 =	vadd.f32 v3, v5;
	v2 =	vadd.f32 v13, v2  }
0x9c: {  	[tilespmem:s6+$0x2010] =	vst v15;
	v10 =	vadd.f32 v26, v11;
	v1 =	vadd.f32 v41, v7  }
0x9d: {  	s25 =	smul.u32 $0xC0, s2;
	[tilespmem:s6+$0x2000] =	vst v6;
	v2 =	vadd.f32 v3, v2  }
0x9e: {  	[tilespmem:$0x4000] =	vst v0;
	v1 =	vadd.f32 v10, v1  }
0x9f: {  	s5 =	sshrl.u32 s25, $0x2;
	[tilespmem:$0x4010] =	vst v2  }
0xa0: {  	s26 =	simm.s32 $0x4000;
	s28 =	simm.s32 $0x2;
	s5 =	sadd.s32 s5, s4;
	[tilespmem:$0x4020] =	vst v1  }
0xa1: {  	[spmem:s5] =	stream.linear.scatter [tilespmem:s26], [sflag:$0x2], $0x30, $0x38;
	[tilespmem:$0x15430] =	vst v63  }
0xa2: {  	_ =	swait.ge [sflag:s28], $0x30  }
0xa3: {  	[sflag:s28] =	ssyncset.done $0x0  }
0xa4: {  	[sflag:s28] =	ssyncadd.s32 $0xFFFFFFD0  }
0xa5: {  	s29 =	simm.s32 $0x4080;
	[bflag:$0x0] =	sbarrier.arrive $0xFFFF  }
0xa6: {  	[tilespmem:s29], [sflag:$0x2] =	stream.linear.gather [spmem:s4], $0x300, $0x38;
	[tilespmem:$0x15430] =	vst v63  }
0xa7: {  	_ =	swait.ge [sflag:s28], $0x300  }
0xa8: {  	[sflag:s28] =	ssyncset.done $0x0  }
0xa9: {  	[sflag:s28] =	ssyncadd.s32 $0xFFFFFD00  }
0xaa: {  	v0 =	vld [tilespmem:$0x4080];
	_ =	sdelay $0x1  }
0xab: {  	v1 =	vld [tilespmem:$0x40B0];
	_ =	sdelay $0x1  }
0xac: {  	v2 =	vld [tilespmem:$0x40E0]  }
0xad: {  	v0 =	vadd.f32 $0.0e+00, v0  }
0xae: {  	v3 =	vld [tilespmem:$0x4110]  }
0xaf: {  	v0 =	vadd.f32 v1, v0  }
0xb0: {  	v1 =	vld [tilespmem:$0x4140]  }
0xb1: {  	v0 =	vadd.f32 v2, v0  }
0xb2: {  	v2 =	vld [tilespmem:$0x4170]  }
0xb3: {  	v0 =	vadd.f32 v3, v0  }
0xb4: {  	v3 =	vld [tilespmem:$0x41A0]  }
0xb5: {  	v0 =	vadd.f32 v1, v0  }
0xb6: {  	v1 =	vld [tilespmem:$0x41D0]  }
0xb7: {  	v0 =	vadd.f32 v2, v0  }
0xb8: {  	v2 =	vld [tilespmem:$0x4200]  }
0xb9: {  	v0 =	vadd.f32 v3, v0  }
0xba: {  	v3 =	vld [tilespmem:$0x4230]  }
0xbb: {  	v0 =	vadd.f32 v1, v0  }
0xbc: {  	v1 =	vld [tilespmem:$0x4260]  }
0xbd: {  	v0 =	vadd.f32 v2, v0  }
0xbe: {  	v2 =	vld [tilespmem:$0x4290]  }
0xbf: {  	v0 =	vadd.f32 v3, v0  }
0xc0: {  	v3 =	vld [tilespmem:$0x42C0]  }
0xc1: {  	v0 =	vadd.f32 v1, v0  }
0xc2: {  	v1 =	vld [tilespmem:$0x42F0]  }
0xc3: {  	v0 =	vadd.f32 v2, v0  }
0xc4: {  	v2 =	vld [tilespmem:$0x4320]  }
0xc5: {  	v0 =	vadd.f32 v3, v0  }
0xc6: {  	v3 =	vld [tilespmem:$0x4350]  }
0xc7: {  	v42 =	vld [tilespmem:$0x4090];
	v0 =	vadd.f32 v1, v0  }
0xc8: {  	v43 =	vld [tilespmem:$0x40A0]  }
0xc9: {  	v44 =	vld [tilespmem:$0x40C0];
	v0 =	vadd.f32 v2, v0  }
0xca: {  	v45 =	vld [tilespmem:$0x40D0]  }
0xcb: {  	v46 =	vld [tilespmem:$0x40F0];
	v0 =	vadd.f32 v3, v0  }
0xcc: {  	v47 =	vld [tilespmem:$0x4100];
	v1 =	vadd.f32 $0.0e+00, v42  }
0xcd: {  	v48 =	vld [tilespmem:$0x4120];
	v5 =	vadd.f32 $0.0e+00, v43;
	(xrf2) =	vadd.scan.msk.f32 $0xffff, v0  }
0xce: {  	v1 =	vadd.f32 v44, v1;
	v2 =	vld [tilespmem:$0x4130]  }
0xcf: {  	v49 =	vld [tilespmem:$0x4150];
	v5 =	vadd.f32 v45, v5  }
0xd0: {  	v1 =	vadd.f32 v46, v1;
	v3 =	vld [tilespmem:$0x4160]  }
0xd1: {  	v50 =	vld [tilespmem:$0x4180];
	v4 =	vadd.f32 v47, v5  }
0xd2: {  	v0 =	vadd.f32 v48, v1;
	v1 =	vld [tilespmem:$0x4190]  }
0xd3: {  	v51 =	vld [tilespmem:$0x41B0];
	v2 =	vadd.f32 v2, v4  }
0xd4: {  	v52 =	vld [tilespmem:$0x41C0];
	v0 =	vadd.f32 v49, v0  }
0xd5: {  	v2 =	vadd.f32 v3, v2;
	v3 =	vld [tilespmem:$0x41E0]  }
0xd6: {  	v53 =	vld [tilespmem:$0x41F0];
	v0 =	vadd.f32 v50, v0  }
0xd7: {  	v1 =	vadd.f32 v1, v2;
	v2 =	vld [tilespmem:$0x4210];
	v57, _, _ =	vpop (xrf2)  }
0xd8: {  	v54 =	vld [tilespmem:$0x4220];
	v0 =	vadd.f32 v51, v0;
	(v2sf) =	vpush v57, $0xF  }
0xd9: {  	v55 =	vld [tilespmem:$0x4240];
	v1 =	vadd.f32 v52, v1  }
0xda: {  	v0 =	vadd.f32 v3, v0;
	v3 =	vld [tilespmem:$0x4250]  }
0xdb: {  	v56 =	vld [tilespmem:$0x4270];
	v1 =	vadd.f32 v53, v1  }
0xdc: {  	v0 =	vadd.f32 v2, v0;
	v2 =	vld [tilespmem:$0x4280]  }
0xdd: {  	v58 =	vld [tilespmem:$0x42A0];
	v1 =	vadd.f32 v54, v1  }
0xde: {  	v59 =	vld [tilespmem:$0x42B0];
	v0 =	vadd.f32 v55, v0  }
0xdf: {  	v1 =	vadd.f32 v3, v1;
	v3 =	vld [tilespmem:$0x42D0]  }
0xe0: {  	v60 =	vld [tilespmem:$0x42E0];
	v0 =	vadd.f32 v56, v0  }
0xe1: {  	v1 =	vadd.f32 v2, v1;
	v2 =	vld [tilespmem:$0x4300]  }
0xe2: {  	v61 =	vld [tilespmem:$0x4310];
	v0 =	vadd.f32 v58, v0  }
0xe3: {  	v62 =	vld [tilespmem:$0x4330];
	v1 =	vadd.f32 v59, v1  }
0xe4: {  	v0 =	vadd.f32 v3, v0;
	v3 =	vld [tilespmem:$0x4340]  }
0xe5: {  	v63 =	vld [tilespmem:$0x4360];
	v1 =	vadd.f32 v60, v1  }
0xe6: {  	v0 =	vadd.f32 v2, v0;
	v2 =	vld [tilespmem:$0x4370]  }
0xe7: {  	v1 =	vadd.f32 v61, v1;
	s30 =	spop (v2sf)  }
0xe8: {  	v0 =	vadd.f32 v62, v0;
	s5 =	scvt.f32.s32 s30  }
0xe9: {  	v1 =	vadd.f32 v3, v1  }
0xea: {  	v0 =	vadd.f32 v63, v0;
	s4 =	ssub.s32 $0x10000, s5  }
0xeb: {  	v1 =	vadd.f32 v2, v1;
	s7 =	smov.u32 s5;
	p0 =	slt.s32 s4, s5  }
0xec: {  	(xrf2) =	vadd.scan.msk.f32 $0xffff, v0;
	s7 =	smov.u32 @p0 s4  }
0xed: {  	(xrf2) =	vadd.scan.msk.f32 $0xffff, v1;
	s31 =	smul.u32 $0x3, s7;
	_ =	sdelay $0x1  }
0xee: {  	s10 =	sadd.s32 $0x3, s31  }
0xef: {  	s6 =	smov.u32 s5;
	p2 =	sgt.s32 s4, s5;
	p1 =	sgt.s32 s7, s10  }
0xf0: {  	s6 =	smov.u32 @p2 s4;
	s10 =	smov.u32 @p1 s7  }
0xf1: {  	p1 =	sle.s32 s6, s10  }
.Ltmp1:
0xf2: {  	_ = 	snop;
	(pc) =	sbr.rel @p1 .LBB2_13-.Ltmp1, $3  }
0xf3: {  	_ =	sdelay $0x1  }
0xf4: {  	v1, _, _ =	vpop (xrf2)  }
0xf5: {  	v0, _, _ =	vpop (xrf2)  }
0xf6: {  	s7 =	simm.s32 $0x0  }
0xf7: {  	v2 =	vld [tilespmem:s7+$0x0];
	_ =	sdelay $0x2  }
0xf8: {  	v4 =	vld [tilespmem:s7+$0x2000]  }
0xf9: {  	p1 =	sge.s32 s4, s5;
	s8 =	simm.s32 $0x1;
	s9 =	simm.s32 $0x1  }
0xfa: {  	s9 =	simm.s32 @!p0 $0x0;
	s8 =	simm.s32 @!p1 $0x0;
	vm0 =	vge.f32 v2, $0.0e+00  }
0xfb: {  	v3 =	vmov s8;
	v2 =	vmov s9;
	vm0 =	vmneg vm0  }
0xfc: {  	s8 =	simm.s32 $0x10;
	v6 =	vsel vm0, v3, v2  }
0xfd: {  	v7 =	vmul.u32 v4, v6;
	v4 =	vld [tilespmem:s8+$0x0];
	_ =	sdelay $0x2  }
0xfe: {  	s31 =	sshll.u32 s2, $0xC;
	p0 =	slt.s32 s10, s6;
	v5 =	vld [tilespmem:s8+$0x2000]  }
0xff: {  	s6 =	smov.u32 @p0 s10;
	s10 =	simm.s32 $0x80;
	s9 =	sadd.s32 s31, s3;
	v6 =	vadd.s32 v7, v6  }
.LBB2_4:
0x100: {  	s11 =	sshra.s32 s10, $0x2;
	p0 =	sne.s32 s10, $0x3FC0;
	s10 =	sadd.s32 $0x40, s10;
	vm0 =	vge.f32 v4, $0.0e+00;
	v6 =	vadd.s32 $0xFFFFFFFF, v6  }
.Ltmp2:
0x101: {  	v4 =	vld [tilespmem:s11+$0x0];
	vm0 =	vmneg vm0;
	[tilespmem:s7+$0x3000] =	vst v6;
	s7 =	smov.u32 s8;
	s8 =	smov.u32 s11;
	(pc) =	sbr.rel @p0 .LBB2_4-.Ltmp2, $4  }
0x102: {  	v6 =	vsel vm0, v3, v2  }
0x103: {  	v7 =	vmul.u32 v5, v6  }
0x104: {  	v5 =	vld [tilespmem:s8+$0x2000]  }
0x105: {  	v6 =	vadd.s32 v7, v6  }
0x106: {  	vm0 =	vge.f32 v4, $0.0e+00  }
0x107: {  	vm0 =	vmneg vm0  }
0x108: {  	v2 =	vsel vm0, v3, v2  }
0x109: {  	v3 =	vmul.u32 v5, v2;
	_ =	sdelay $0x1  }
0x10a: {  	v63 =	vadd.s32 $0xFFFFFFFF, v6;
	v2 =	vadd.s32 v3, v2  }
0x10b: {  	[tilespmem:s7+$0x3000] =	vst v63;
	v2 =	vadd.s32 $0xFFFFFFFF, v2  }
0x10c: {  	s29 =	simm.s32 $0x3000;
	s30 =	simm.s32 $0x2;
	[tilespmem:s8+$0x3000] =	vst v2  }
0x10d: {  	[spmem:s9] =	stream.linear.scatter [tilespmem:s29], [sflag:$0x2], $0x1000, $0x38;
	[tilespmem:$0x15430] =	vst v63  }
0x10e: {  	_ =	swait.ge [sflag:s30], $0x1000  }
0x10f: {  	[sflag:s30] =	ssyncset.done $0x0  }
0x110: {  	[sflag:s30] =	ssyncadd.s32 $0xFFFFF000  }
0x111: {  	s31 =	simm.s32 $0x4380;
	[bflag:$0x0] =	sbarrier.arrive $0xFFFF  }
0x112: {  	[tilespmem:s31], [sflag:$0x2] =	stream.linear.gather [spmem:s3], $0x10000, $0x38;
	[tilespmem:$0x15430] =	vst v63  }
0x113: {  	_ =	swait.ge [sflag:s30], $0x10000  }
0x114: {  	s7 =	simm.s32 $0x0;
	[sflag:s30] =	ssyncset.done $0x0  }
0x115: {  	v2 =	vimm.f32 $1.000000000e+00;
	s8 =	simm.s32 $0x0;
	s3 =	simm.s32 $0x40000000;
	[sflag:s30] =	ssyncadd.s32 $0xFFFF0000  }
.LBB2_6:
0x116: {  	s9 =	sshrl.u32 s3, s8;
	s11 =	simm.s32 $0x0  }
0x117: {  	s9 =	sor.u32 s9, s7;
	v5 =	vld [tilespmem:s11+$0x4380]  }
0x118: {  	v3 =	vimm.f32 $0.0e+00;
	s10 =	simm.s32 $0x40;
	v4 =	vmov s9  }
.LBB2_7:
0x119: {  	p0 =	sne.s32 s10, $0x3FFC0  }
.Ltmp3:
0x11a: {  	_ = 	snop;
	(pc) =	sbr.rel @p0 .LBB2_7-.Ltmp3, $4  }
0x11b: {  	_ = 	snop  }
0x11c: {  	s11 =	sshra.s32 s10, $0x2;
	s10 =	sadd.s32 $0x40, s10;
	vm0 =	vlt.s32 v5, v4  }
0x11d: {  	v5 =	vld [tilespmem:s11+$0x4380];
	v6 =	vsel vm0, $0x0, v2  }
0x11e: {  	v3 =	vadd.f32 v6, v3  }
0x11f: {  	_ =	sdelay $0x2  }
0x120: {  	vm0 =	vlt.s32 v5, v4  }
0x121: {  	v4 =	vsel vm0, $0x0, v2  }
0x122: {  	v3 =	vadd.f32 v4, v3;
	_ =	sdelay $0x1  }
0x123: {  	(xrf2) =	vadd.scan.msk.f32 $0xffff, v3;
	_ =	sdelay $0x9  }
0x124: {  	v3, _, _ =	vpop (xrf2)  }
0x125: {  	(v2sf) =	vpush v3, $0xF;
	_ =	sdelay $0xe  }
0x126: {  	s10 =	spop (v2sf)  }
0x127: {  	s10 =	scvt.f32.s32 s10;
	_ =	sdelay $0x1  }
0x128: {  	s8 =	sadd.s32 $0x1, s8;
	p0 =	sgt.s32 s6, s10  }
0x129: {  	s9 =	smov.u32 @p0 s7;
	p0 =	sne.s32 s8, $0x1F  }
.Ltmp4:
0x12a: {  	_ = 	snop;
	(pc) =	sbr.rel @p0 .LBB2_6-.Ltmp4, $2  }
0x12b: {  	_ =	sdelay $0x2  }
0x12c: {  	s7 =	smov.u32 s9  }
0x12d: {  	s7 =	simm.s32 $0x0  }
0x12e: {  	v2 =	vmov s9;
	v3 =	vld [tilespmem:s7+$0x4380]  }
0x12f: {  	v5 =	vimm.f32 $0.0e+00;
	s3 =	simm.s32 $0x40;
	v6 =	vimm.f32 $0.0e+00;
	v4 =	vimm.f32 $0.0e+00  }
.LBB2_10:
0x130: {  	p0 =	sne.s32 s3, $0x3FFC0  }
.Ltmp5:
0x131: {  	_ = 	snop;
	(pc) =	sbr.rel @p0 .LBB2_10-.Ltmp5, $4  }
0x132: {  	_ = 	snop  }
0x133: {  	s7 =	sshra.s32 s3, $0x2;
	s3 =	sadd.s32 $0x40, s3;
	vm0 =	vgt.s32 v3, v2  }
0x134: {  	v7 =	vsel vm0, $0x3F800000, v5;
	v8 =	vnsel vm0, $0x0, v3;
	v3 =	vld [tilespmem:s7+$0x4380]  }
0x135: {  	v6 =	vadd.f32 v7, v6;
	v4 =	vadd.f32 v8, v4  }
0x136: {  	_ =	sdelay $0x2  }
0x137: {  	vm0 =	vgt.s32 v3, v2  }
0x138: {  	v5 =	vsel vm0, $0x3F800000, v5  }
0x139: {  	v5 =	vadd.f32 v5, v6;
	_ =	sdelay $0x1  }
0x13a: {  	(xrf2) =	vadd.scan.msk.f32 $0xffff, v5;
	_ =	sdelay $0x9  }
0x13b: {  	v5, _, _ =	vpop (xrf2)  }
0x13c: {  	(v2sf) =	vpush v5, $0xF;
	_ =	sdelay $0x6  }
0x13d: {  	v3 =	vnsel vm0, $0x0, v3  }
0x13e: {  	v3 =	vadd.f32 v3, v4;
	_ =	sdelay $0x1  }
0x13f: {  	(xrf2) =	vadd.scan.msk.f32 $0xffff, v3;
	_ =	sdelay $0x4  }
0x140: {  	s3 =	spop (v2sf)  }
0x141: {  	s3 =	scvt.f32.s32 s3;
	_ =	sdelay $0x1  }
0x142: {  	s3 =	ssub.s32 s6, s3  }
.Ltmp6:
0x143: {  	s3 =	scvt.s32.f32 s3;
	(pc) =	sbr.rel .LBB2_12-.Ltmp6, $3  }
0x144: {  	v3, _, _ =	vpop (xrf2)  }
0x145: {  	v3 =	vbroadcast v3, $0xF;
	v2 =	vmul.f32 s3, v2;
	_ =	sdelay $0x1  }
0x146: {  	s3 =	scvt.s32.f32 s6;
	v2 =	vadd.f32 v2, v3  }
.LBB2_13:
0x147: {  	(v2sf) =	vpush v0, $0xF  }
0x148: {  	(v2sf) =	vpush v1, $0xF;
	_ =	sdelay $0xd  }
0x149: {  	s3 =	spop (v2sf)  }
0x14a: {  	p1 =	sgt.s32 s6, $0x1;
	s7 =	spop (v2sf)  }
0x14b: {  	s6 =	simm.s32 @!p1 $0x1;
	s7 =	smov.u32 @p0 s3  }
0x14c: {  	s3 =	scvt.s32.f32 s6;
	v2 =	vmov s7  }
.LBB2_12:
0x14d: {  	p0 =	sne.s32 s2, $0x0  }
0x14e: {  	s2 =	smov.u32 s4;
	p1 =	sgt.s32 @!p0 s4, $0x1  }
0x14f: {  	_ =	sfence.sel @p0 $0x180000;
	p2 =	sle.s32 @!p0 s4, s5;
	p1 =	por !p1, p0  }
0x150: {  	p3 =	sgt.s32 @!p0 s5, $0x1;
	p4 =	sgt.s32 @!p0 s5, $0x0;
	s2 =	simm.s32 @p1 $0x1  }
0x151: {  	[bflag:$0x0] =	sbarrier.arrive @p0 $0xFFFF;
	p3 =	por !p3, p0;
	s2 =	scvt.s32.f32 @!p0 s2  }
0x152: {  	_ =	strace @p0 $0x90000047;
	p1 =	sge.s32 @!p0 s4, s5;
	s5 =	simm.s32 @p3 $0x1  }
0x153: {  	[bflag:$0x2] =	sbarrier.arrive @p0 $0xFFFF;
	v3 =	vmov @!p0 s2;
	s2 =	scvt.s32.f32 @!p0 s5  }
0x154: {  	(erf) = vrcp.f32 @!p0 v3;
	v3 =	vmov @!p0 s3  }
0x155: {  	(erf) = vrcp.f32 @!p0 v3;
	v3 =	vmov @!p0 s2  }
0x156: {  	(erf) = vrcp.f32 @!p0 v3  }
0x157: {  	p3 =	por !p4, p0;
	s2 =	simm.f32 @!p0 $1.000000000e+00  }
0x158: {  	s2 =	simm.s32 @p3 $0x0;
	p3 =	sgt.s32 @!p0 s4, $0x0  }
0x159: {  	s4 =	simm.f32 @!p0 $1.000000000e+00;
	p3 =	por !p3, p0  }
0x15a: {  	p2 =	por !p2, p0;
	s3 =	simm.f32 @!p0 $1.000000000e+00;
	v3 =	vmov @!p0 s2;
	s4 =	simm.s32 @p3 $0x0  }
0x15b: {  	s3 =	simm.s32 @p2 $0x0;
	v6 =	vadd.f32 @!p0 s4, v3  }
0x15c: {  	v1 =	vbroadcast @!p0 v1, $0xF;
	v5 =	vmov @!p0 s3  }
0x15d: {  	v0 =	vbroadcast @!p0 v0, $0xF;
	p1 =	por !p1, p0;
	s2 =	simm.f32 @!p0 $1.000000000e+00;
	v7 =	vmul.f32 @!p0 s4, v5;
	v4 =	vpop @!p0 (erf)  }
0x15e: {  	s2 =	simm.s32 @p1 $0x0;
	(erf) = vrcp.f32 @!p0 v6;
	v1 =	vmul.f32 @!p0 v4, v1;
	v4 =	vpop @!p0 (erf)  }
0x15f: {  	v5 =	vsub.f32 @!p0 $1.000000000e+00, v5;
	v6 =	vpop @!p0 (erf);
	v2 =	vmul.f32 @!p0 v4, v2;
	v4 =	vmov @!p0 s2  }
0x160: {  	v3 =	vmul.f32 @!p0 s2, v3;
	v0 =	vmul.f32 @!p0 v6, v0;
	v4 =	vsub.f32 @!p0 $1.000000000e+00, v4  }
0x161: {  	v1 =	vmul.f32 @!p0 v1, v7;
	v5 =	vmul.f32 @!p0 v2, v5  }
0x162: {  	v0 =	vmul.f32 @!p0 v0, v3;
	v2 =	vmul.f32 @!p0 v2, v4  }
0x163: {  	v1 =	vadd.f32 @!p0 v5, v1  }
0x164: {  	v0 =	vadd.f32 @!p0 v2, v0;
	_ =	sdelay $0x1  }
0x165: {  	v0 =	vadd.f32 @!p0 v0, v1  }
0x166: {  	v1 =	vpop @!p0 (erf)  }
0x167: {  	v0 =	vmul.f32 @!p0 v0, v1;
	_ =	sdelay $0x1  }
0x168: {  	s3 =	simm.s32 @!p0 $0x14380;
	s2 =	simm.s32 @!p0 $0x0;
	[tilespmem:$0x14380] =	vst @!p0 v0  }
0x169: {  	[hbm4b:s1+s2] =	stream.linear.scatter @!p0 [tilespmem:s3], [sflag:$0x2], $0x80, $0x38;
	[tilespmem:$0x15430] =	vst v63  }
0x16a: {  	s1 =	simm.s32 @!p0 $0x2  }
0x16b: {  	_ =	swait.ge @!p0 [sflag:s1], $0x80  }
0x16c: {  	[sflag:s1] =	ssyncset.done @!p0 $0x0  }
0x16d: {  	[sflag:s1] =	ssyncadd.s32 @!p0 $0xFFFFFF80  }
0x16e: {  	_ =	sfence.sel @!p0 $0x180000  }
0x16f: {  	[bflag:$0x0] =	sbarrier.arrive @!p0 $0xFFFF  }
0x170: {  	_ =	strace @!p0 $0x90000047  }
0x171: {  	s0 =	sadd.s32 @!p0 $0x100000, s0;
	[bflag:$0x2] =	sbarrier.arrive @!p0 $0xFFFF  }
0x172: {  	[sflag:s0] =	ssyncadd.tile.s32 @!p0 $0x1;
	_ =	shalt  }
.Lfunc_end2:
_tile_overlayer_lowered:
.L_overlay_start_2:
0x173: {  	(tag) =	ssettag $0x2  }
0x174: {  	s0 =	rddreg [dreg:$0x0];
	s2 =	stileid.u32  }
0x175: {  	s1 =	rddreg [dreg:$0x1];
	p0 =	sne.s32 s2, $0x0  }
0x176: {  	s3 =	rddreg [dreg:$0x2];
	[bflag:$0x3] =	sbarrier.arrive $0xFFFF;
	s2 =	simm.s32 @!p0 $0x1C02  }
0x177: {  	[timem:s3], [sflag:s2] =	dma.local @!p0 [hbm:s0], s1  }
0x178: {  	s0 =	simm.s32 @!p0 $0x2  }
0x179: {  	_ =	swait.ge @!p0 [sflag:s0], s1  }
0x17a: {  	s1 =	ssub.s32 @!p0 $0x0, s1;
	[sflag:s0] =	ssyncset.done @!p0 $0x0  }
0x17b: {  	[sflag:s0] =	ssyncadd.s32 @!p0 s1  }
0x17c: {  	[bflag:$0x3] =	sbarrier.arrive $0xFFFF  }
0x17d: {  	_ =	shalt  }

</sc_bundles>
